<compile_context>
chip_gen: v7x
topology: tpu7x:2x2x1
jax: 0.10.2.dev20260603
libtpu: 0.0.44.dev20260713+nightly
codegen_flags: <defaults>
</compile_context>

<pallas_src>
import jax
import jax.numpy as jnp
from jax import lax
from jax.experimental import pallas as pl
from jax.experimental.pallas import tpu as pltpu
from jax.experimental.pallas import tpu_sc as plsc

L = 8192
H = 16
C = 128
NB = 512
NC = 2
NS = 16

HALF = L // NC
CHUNK = 128
NCHUNK = HALF // CHUNK
GRP = 16
NGRP = CHUNK // GRP


def _grpe_body(x_hbm, rp_hbm, tab_hbm, out_hbm, tab_v, idx_v, xv0, xv1,
               out_v, sem0, sem1):
    cid = lax.axis_index("c")
    sid = lax.axis_index("s")
    h = sid
    base = cid * HALF

    pltpu.sync_copy(tab_hbm.at[:, h, :], tab_v)
    pltpu.sync_copy(rp_hbm.at[pl.ds(base, HALF)], idx_v)

    def chunk_copy(k, b):
        sem = sem0 if b == 0 else sem1
        buf = xv0 if b == 0 else xv1
        return pltpu.make_async_copy(
            x_hbm.at[pl.ds(base + k * CHUNK, CHUNK), h, :], buf, sem)

    chunk_copy(0, 0).start()
    chunk_copy(1, 1).start()

    lane = jnp.arange(GRP, dtype=jnp.int32)
    zeros = jnp.zeros((GRP,), jnp.float32)

    def compute_chunk(k, b):
        buf = xv0 if b == 0 else xv1
        def grp_body(g, carry):
            t0 = k * CHUNK + g * GRP
            bv = idx_v[pl.ds(t0, GRP)]
            rowv = lane + g * GRP
            def cblk_body(cb, accs):
                cbase = cb * GRP
                for j in range(GRP):
                    col = (lane + (j + cbase)) & (C - 1)
                    gx = plsc.load_gather(buf, [rowv, col])
                    gw = plsc.load_gather(tab_v, [bv, col])
                    accs = tuple(
                        accs[i] + gx * gw if i == j % 2 else accs[i]
                        for i in range(2))
                return accs
            accs = lax.fori_loop(0, C // GRP, cblk_body, (zeros, zeros))
            out_v[pl.ds(t0, GRP)] = accs[0] + accs[1]
            return carry
        lax.fori_loop(0, NGRP, grp_body, 0)

    def outer(i, carry):
        for b in range(2):
            k = i * 2 + b
            chunk_copy(k, b).wait()
            compute_chunk(k, b)
            @pl.when(k + 2 < NCHUNK)
            def _():
                chunk_copy(k + 2, b).start()
        return carry

    lax.fori_loop(0, NCHUNK // 2, outer, 0)

    pltpu.sync_copy(out_v, out_hbm.at[h, pl.ds(base, HALF)])


_grpe_sc = pl.kernel(
    _grpe_body,
    out_type=jax.ShapeDtypeStruct((H, L), jnp.float32),
    mesh=plsc.VectorSubcoreMesh(
        core_axis_name="c", subcore_axis_name="s",
        num_cores=NC, num_subcores=NS),
    compiler_params=pltpu.CompilerParams(needs_layout_passes=False),
    scratch_types=[
        pltpu.VMEM((NB, C), jnp.float32),
        pltpu.VMEM((HALF,), jnp.int32),
        pltpu.VMEM((CHUNK, C), jnp.float32),
        pltpu.VMEM((CHUNK, C), jnp.float32),
        pltpu.VMEM((HALF,), jnp.float32),
        pltpu.SemaphoreType.DMA,
        pltpu.SemaphoreType.DMA,
    ],
)


def kernel(x, rp_bucket, lookup_table_weight):
    out_t = _grpe_sc(x, rp_bucket, lookup_table_weight)
    return out_t.T

# --- scband reference (transcript-rebuilt; emitter-appended) ---
"""Pipeline reference for scband-grpe-42984032698886 (READ-ONLY COPY).

The authoritative reference and input builder live on the scoring server;
editing this copy changes nothing except your own understanding.
"""

import jax, jax.numpy as jnp
import numpy as np
import math

L = 8192
NUM_HEADS = 16
CHANNEL = 128
NUM_BUCKETS = 512


def _kaiming_uniform(key, shape):
    # torch.nn.init.kaiming_uniform_ default: a=0, fan_in mode, leaky_relu gain=sqrt(2)
    fan_in = int(np.prod(shape[1:]))
    gain = math.sqrt(2.0)
    bound = gain * math.sqrt(3.0 / fan_in)
    return jax.random.uniform(key, shape, dtype=jnp.float32, minval=-bound, maxval=bound)


def setup_inputs(seed: int = 0) -> dict:
    key = jax.random.key(seed)
    k1, k2, k3 = jax.random.split(key, 3)
    x = jax.random.normal(k1, (L, NUM_HEADS, CHANNEL), dtype=jnp.float32)
    rp_bucket = jax.random.randint(k2, (L,), 0, NUM_BUCKETS, dtype=jnp.int32)
    # lookup_table_weight for mode='contextual', transposed=False: [num_buckets, num_heads, channel]
    lookup_table_weight = _kaiming_uniform(k3, (NUM_BUCKETS, NUM_HEADS, CHANNEL))
    return {"x": x, "rp_bucket": rp_bucket, "lookup_table_weight": lookup_table_weight}


def reference(x, rp_bucket, lookup_table_weight):
    # GRPE.forward_rpe, mode='contextual', transposed=False
    # weight = lookup_table_weight[rp_bucket] -> [L, H, C]
    weight = jnp.take(lookup_table_weight, rp_bucket, axis=0)
    # (weight * x).sum(axis=2) -> [L, H]
    return (weight * x).sum(axis=2)

if __name__ == "__main__":
    import jax
    _d = setup_inputs()
    print(jax.jit(kernel)(*tuple(_d.values())))

</pallas_src>

<mosaic_0001>
#map = affine_map<(d0, d1) -> (0, 0, 0)>
#map1 = affine_map<(d0, d1) -> (0)>
#map2 = affine_map<(d0, d1) -> (0, 0)>
module attributes {stable_mosaic.version = 14 : i64} {
  func.func @_grpe_body(%arg0: i32, %arg1: i32, %arg2: memref<8192x16x128xf32, #tpu.memory_space<hbm>>, %arg3: memref<8192xi32, #tpu.memory_space<hbm>>, %arg4: memref<512x16x128xf32, #tpu.memory_space<hbm>>, %arg5: memref<16x8192xf32, #tpu.memory_space<hbm>>, %arg6: memref<512x128xf32, #tpu.memory_space<vmem>>, %arg7: memref<4096xi32, #tpu.memory_space<vmem>>, %arg8: memref<128x128xf32, #tpu.memory_space<vmem>>, %arg9: memref<128x128xf32, #tpu.memory_space<vmem>>, %arg10: memref<4096xf32, #tpu.memory_space<vmem>>, %arg11: memref<!tpu.dma_semaphore, #tpu.memory_space<semaphore_mem>>, %arg12: memref<!tpu.dma_semaphore, #tpu.memory_space<semaphore_mem>>) attributes {dimension_semantics = [#tpu.dimension_semantics<core_parallel>, #tpu.dimension_semantics<subcore_parallel>], iteration_bounds = array<i64: 2, 16>, scalar_prefetch = 0 : i64, scratch_operands = 7 : i64, tpu.core_type = #tpu.core_type<sc_vector_subcore>, window_params = [{transform_indices = #map}, {transform_indices = #map1}, {transform_indices = #map}, {transform_indices = #map2}]} {
    %mul3A = arith.constant 4096 : i32
    %mul3A_0 = arith.muli %arg0, %mul3A : i32
    "tpu.region"() ({
      %run_scoped3A = tpu.sem_alloc : memref<!tpu.dma_semaphore, #tpu.memory_space<semaphore_mem>>
      %dma_start3A_21 = arith.constant 0 : i32
      %dma_start3A_22 = arith.constant 0 : i32
      %dma_start3A_23 = tpu.memref_slice %arg4[%dma_start3A_21, %arg1, %dma_start3A_22] : memref<512x16x128xf32, #tpu.memory_space<hbm>> -> memref<512x1x128xf32, #tpu.memory_space<hbm>>
      %dma_start3A_24 = tpu.memref_squeeze %dma_start3A_23 : memref<512x1x128xf32, #tpu.memory_space<hbm>> -> memref<512x128xf32, #tpu.memory_space<hbm>>
      %dma_start3A_25 = arith.constant 0 : i32
      %dma_start3A_26 = arith.constant 0 : i32
      %dma_start3A_27 = tpu.memref_slice %arg4[%dma_start3A_25, %arg1, %dma_start3A_26] : memref<512x16x128xf32, #tpu.memory_space<hbm>> -> memref<512x1x128xf32, #tpu.memory_space<hbm>>
      %dma_start3A_28 = tpu.memref_squeeze %dma_start3A_27 : memref<512x1x128xf32, #tpu.memory_space<hbm>> -> memref<512x128xf32, #tpu.memory_space<hbm>>
      tpu.enqueue_dma source(%dma_start3A_28 : memref<512x128xf32, #tpu.memory_space<hbm>>) target(%arg6 : memref<512x128xf32, #tpu.memory_space<vmem>>) target_semaphore(%run_scoped3A : memref<!tpu.dma_semaphore, #tpu.memory_space<semaphore_mem>>)
      %dma_wait3A = arith.constant 0 : i32
      %dma_wait3A_29 = arith.constant 0 : i32
      %dma_wait3A_30 = tpu.memref_slice %arg4[%dma_wait3A, %arg1, %dma_wait3A_29] : memref<512x16x128xf32, #tpu.memory_space<hbm>> -> memref<512x1x128xf32, #tpu.memory_space<hbm>>
      %dma_wait3A_31 = tpu.memref_squeeze %dma_wait3A_30 : memref<512x1x128xf32, #tpu.memory_space<hbm>> -> memref<512x128xf32, #tpu.memory_space<hbm>>
      %dma_wait3A_32 = arith.constant 0 : i32
      %dma_wait3A_33 = arith.constant 0 : i32
      %dma_wait3A_34 = tpu.memref_slice %arg4[%dma_wait3A_32, %arg1, %dma_wait3A_33] : memref<512x16x128xf32, #tpu.memory_space<hbm>> -> memref<512x1x128xf32, #tpu.memory_space<hbm>>
      %dma_wait3A_35 = tpu.memref_squeeze %dma_wait3A_34 : memref<512x1x128xf32, #tpu.memory_space<hbm>> -> memref<512x128xf32, #tpu.memory_space<hbm>>
      tpu.wait_dma2 semaphore(%run_scoped3A : memref<!tpu.dma_semaphore, #tpu.memory_space<semaphore_mem>>) src(%dma_wait3A_35 : memref<512x128xf32, #tpu.memory_space<hbm>>) dst(%arg6 : memref<512x128xf32, #tpu.memory_space<vmem>>)
      tpu.yield
    }) : () -> ()
    "tpu.region"() ({
      %run_scoped3A = tpu.sem_alloc : memref<!tpu.dma_semaphore, #tpu.memory_space<semaphore_mem>>
      %dma_start3A_21 = tpu.memref_slice %arg3[%mul3A_0] : memref<8192xi32, #tpu.memory_space<hbm>> -> memref<4096xi32, #tpu.memory_space<hbm>>
      %dma_start3A_22 = tpu.memref_slice %arg3[%mul3A_0] : memref<8192xi32, #tpu.memory_space<hbm>> -> memref<4096xi32, #tpu.memory_space<hbm>>
      tpu.enqueue_dma source(%dma_start3A_22 : memref<4096xi32, #tpu.memory_space<hbm>>) target(%arg7 : memref<4096xi32, #tpu.memory_space<vmem>>) target_semaphore(%run_scoped3A : memref<!tpu.dma_semaphore, #tpu.memory_space<semaphore_mem>>)
      %dma_wait3A = tpu.memref_slice %arg3[%mul3A_0] : memref<8192xi32, #tpu.memory_space<hbm>> -> memref<4096xi32, #tpu.memory_space<hbm>>
      %dma_wait3A_23 = tpu.memref_slice %arg3[%mul3A_0] : memref<8192xi32, #tpu.memory_space<hbm>> -> memref<4096xi32, #tpu.memory_space<hbm>>
      tpu.wait_dma2 semaphore(%run_scoped3A : memref<!tpu.dma_semaphore, #tpu.memory_space<semaphore_mem>>) src(%dma_wait3A_23 : memref<4096xi32, #tpu.memory_space<hbm>>) dst(%arg7 : memref<4096xi32, #tpu.memory_space<vmem>>)
      tpu.yield
    }) : () -> ()
    %add3A = arith.constant 0 : i32
    %add3A_1 = arith.addi %mul3A_0, %add3A : i32
    %dma_start3A = arith.constant 0 : i32
    %dma_start3A_2 = tpu.memref_slice %arg2[%add3A_1, %arg1, %dma_start3A] : memref<8192x16x128xf32, #tpu.memory_space<hbm>> -> memref<128x1x128xf32, #tpu.memory_space<hbm>>
    %dma_start3A_3 = tpu.memref_squeeze %dma_start3A_2 : memref<128x1x128xf32, #tpu.memory_space<hbm>> -> memref<128x128xf32, #tpu.memory_space<hbm>>
    %dma_start3A_4 = arith.constant 0 : i32
    %dma_start3A_5 = tpu.memref_slice %arg2[%add3A_1, %arg1, %dma_start3A_4] : memref<8192x16x128xf32, #tpu.memory_space<hbm>> -> memref<128x1x128xf32, #tpu.memory_space<hbm>>
    %dma_start3A_6 = tpu.memref_squeeze %dma_start3A_5 : memref<128x1x128xf32, #tpu.memory_space<hbm>> -> memref<128x128xf32, #tpu.memory_space<hbm>>
    tpu.enqueue_dma source(%dma_start3A_6 : memref<128x128xf32, #tpu.memory_space<hbm>>) target(%arg8 : memref<128x128xf32, #tpu.memory_space<vmem>>) target_semaphore(%arg11 : memref<!tpu.dma_semaphore, #tpu.memory_space<semaphore_mem>>)
    %add3A_7 = arith.constant 128 : i32
    %add3A_8 = arith.addi %mul3A_0, %add3A_7 : i32
    %dma_start3A_9 = arith.constant 0 : i32
    %dma_start3A_10 = tpu.memref_slice %arg2[%add3A_8, %arg1, %dma_start3A_9] : memref<8192x16x128xf32, #tpu.memory_space<hbm>> -> memref<128x1x128xf32, #tpu.memory_space<hbm>>
    %dma_start3A_11 = tpu.memref_squeeze %dma_start3A_10 : memref<128x1x128xf32, #tpu.memory_space<hbm>> -> memref<128x128xf32, #tpu.memory_space<hbm>>
    %dma_start3A_12 = arith.constant 0 : i32
    %dma_start3A_13 = tpu.memref_slice %arg2[%add3A_8, %arg1, %dma_start3A_12] : memref<8192x16x128xf32, #tpu.memory_space<hbm>> -> memref<128x1x128xf32, #tpu.memory_space<hbm>>
    %dma_start3A_14 = tpu.memref_squeeze %dma_start3A_13 : memref<128x1x128xf32, #tpu.memory_space<hbm>> -> memref<128x128xf32, #tpu.memory_space<hbm>>
    tpu.enqueue_dma source(%dma_start3A_14 : memref<128x128xf32, #tpu.memory_space<hbm>>) target(%arg9 : memref<128x128xf32, #tpu.memory_space<vmem>>) target_semaphore(%arg12 : memref<!tpu.dma_semaphore, #tpu.memory_space<semaphore_mem>>)
    %iota3A = tpu.iota {dimensions = array<i32: 0>} : vector<16xi32>
    %broadcast_in_dim3A = arith.constant 0.000000e+00 : f32
    %broadcast_in_dim3A_15 = vector.broadcast %broadcast_in_dim3A : f32 to vector<16xf32>
    %scan3A = arith.constant 0 : i32
    %scan3A_16 = arith.constant 0 : i32
    %scan3A_17 = arith.constant 16 : i32
    %scan3A_18 = arith.addi %scan3A_16, %scan3A_17 : i32
    %scan3A_19 = arith.constant 1 : i32
    scf.for %scan3A_21 = %scan3A_16 to %scan3A_18 step %scan3A_19  : i32 {
      %mul3A_22 = arith.constant 2 : i32
      %mul3A_23 = arith.muli %scan3A_21, %mul3A_22 : i32
      %add3A_24 = arith.constant 0 : i32
      %add3A_25 = arith.addi %mul3A_23, %add3A_24 : i32
      %mul3A_26 = arith.constant 128 : i32
      %mul3A_27 = arith.muli %add3A_25, %mul3A_26 : i32
      %add3A_28 = arith.addi %mul3A_0, %mul3A_27 : i32
      %dma_wait3A = arith.constant 0 : i32
      %dma_wait3A_29 = tpu.memref_slice %arg2[%add3A_28, %arg1, %dma_wait3A] : memref<8192x16x128xf32, #tpu.memory_space<hbm>> -> memref<128x1x128xf32, #tpu.memory_space<hbm>>
      %dma_wait3A_30 = tpu.memref_squeeze %dma_wait3A_29 : memref<128x1x128xf32, #tpu.memory_space<hbm>> -> memref<128x128xf32, #tpu.memory_space<hbm>>
      %dma_wait3A_31 = arith.constant 0 : i32
      %dma_wait3A_32 = tpu.memref_slice %arg2[%add3A_28, %arg1, %dma_wait3A_31] : memref<8192x16x128xf32, #tpu.memory_space<hbm>> -> memref<128x1x128xf32, #tpu.memory_space<hbm>>
      %dma_wait3A_33 = tpu.memref_squeeze %dma_wait3A_32 : memref<128x1x128xf32, #tpu.memory_space<hbm>> -> memref<128x128xf32, #tpu.memory_space<hbm>>
      tpu.wait_dma2 semaphore(%arg11 : memref<!tpu.dma_semaphore, #tpu.memory_space<semaphore_mem>>) src(%dma_wait3A_33 : memref<128x128xf32, #tpu.memory_space<hbm>>) dst(%arg8 : memref<128x128xf32, #tpu.memory_space<vmem>>)
      %scan3A_34 = arith.constant 0 : i32
      %scan3A_35 = arith.constant 0 : i32
      %scan3A_36 = arith.constant 8 : i32
      %scan3A_37 = arith.addi %scan3A_35, %scan3A_36 : i32
      %scan3A_38 = arith.constant 1 : i32
      scf.for %scan3A_70 = %scan3A_35 to %scan3A_37 step %scan3A_38  : i32 {
        %mul3A_71 = arith.constant 128 : i32
        %mul3A_72 = arith.muli %add3A_25, %mul3A_71 : i32
        %mul3A_73 = arith.constant 16 : i32
        %mul3A_74 = arith.muli %scan3A_70, %mul3A_73 : i32
        %add3A_75 = arith.addi %mul3A_72, %mul3A_74 : i32
        %get3A = arith.index_cast %add3A_75 : i32 to index
        %get3A_76 = tpu.vector_load %arg7[%get3A] {strides = array<i32>} : memref<4096xi32, #tpu.memory_space<vmem>>, vector<16xi32>,
        %mul3A_77 = arith.constant 16 : i32
        %mul3A_78 = arith.muli %scan3A_70, %mul3A_77 : i32
        %add3A_79 = vector.broadcast %mul3A_78 : i32 to vector<16xi32>
        %add3A_80 = arith.addi %iota3A, %add3A_79 : vector<16xi32>
        %scan3A_81 = arith.constant 0 : i32
        %scan3A_82 = arith.constant 8 : i32
        %scan3A_83 = arith.addi %scan3A_81, %scan3A_82 : i32
        %scan3A_84 = arith.constant 1 : i32
        %scan3A_85:2 = scf.for %scan3A_89 = %scan3A_81 to %scan3A_83 step %scan3A_84 iter_args(%scan3A_90 = %broadcast_in_dim3A_15, %scan3A_91 = %broadcast_in_dim3A_15) -> (vector<16xf32>, vector<16xf32>)  : i32 {
          %mul3A_92 = arith.constant 16 : i32
          %mul3A_93 = arith.muli %scan3A_89, %mul3A_92 : i32
          %add3A_94 = arith.constant 0 : i32
          %add3A_95 = arith.addi %add3A_94, %mul3A_93 : i32
          %add3A_96 = vector.broadcast %add3A_95 : i32 to vector<16xi32>
          %add3A_97 = arith.addi %iota3A, %add3A_96 : vector<16xi32>
          %and3A = arith.constant 127 : i32
          %and3A_98 = vector.broadcast %and3A : i32 to vector<16xi32>
          %and3A_99 = arith.andi %add3A_97, %and3A_98 : vector<16xi32>
          %gather3A = tpu.vector_load_idx %arg8[%add3A_80, %and3A_99] : memref<128x128xf32, #tpu.memory_space<vmem>>[vector<16xi32>, vector<16xi32>], vector<16xf32>,
          %gather3A_100 = tpu.vector_load_idx %arg6[%get3A_76, %and3A_99] : memref<512x128xf32, #tpu.memory_space<vmem>>[vector<16xi32>, vector<16xi32>], vector<16xf32>,
          %mul3A_101 = arith.mulf %gather3A, %gather3A_100 : vector<16xf32>
          %add3A_102 = arith.addf %scan3A_90, %mul3A_101 : vector<16xf32>
          %add3A_103 = arith.constant 1 : i32
          %add3A_104 = arith.addi %add3A_103, %mul3A_93 : i32
          %add3A_105 = vector.broadcast %add3A_104 : i32 to vector<16xi32>
          %add3A_106 = arith.addi %iota3A, %add3A_105 : vector<16xi32>
          %and3A_107 = arith.constant 127 : i32
          %and3A_108 = vector.broadcast %and3A_107 : i32 to vector<16xi32>
          %and3A_109 = arith.andi %add3A_106, %and3A_108 : vector<16xi32>
          %gather3A_110 = tpu.vector_load_idx %arg8[%add3A_80, %and3A_109] : memref<128x128xf32, #tpu.memory_space<vmem>>[vector<16xi32>, vector<16xi32>], vector<16xf32>,
          %gather3A_111 = tpu.vector_load_idx %arg6[%get3A_76, %and3A_109] : memref<512x128xf32, #tpu.memory_space<vmem>>[vector<16xi32>, vector<16xi32>], vector<16xf32>,
          %mul3A_112 = arith.mulf %gather3A_110, %gather3A_111 : vector<16xf32>
          %add3A_113 = arith.addf %scan3A_91, %mul3A_112 : vector<16xf32>
          %add3A_114 = arith.constant 2 : i32
          %add3A_115 = arith.addi %add3A_114, %mul3A_93 : i32
          %add3A_116 = vector.broadcast %add3A_115 : i32 to vector<16xi32>
          %add3A_117 = arith.addi %iota3A, %add3A_116 : vector<16xi32>
          %and3A_118 = arith.constant 127 : i32
          %and3A_119 = vector.broadcast %and3A_118 : i32 to vector<16xi32>
          %and3A_120 = arith.andi %add3A_117, %and3A_119 : vector<16xi32>
          %gather3A_121 = tpu.vector_load_idx %arg8[%add3A_80, %and3A_120] : memref<128x128xf32, #tpu.memory_space<vmem>>[vector<16xi32>, vector<16xi32>], vector<16xf32>,
          %gather3A_122 = tpu.vector_load_idx %arg6[%get3A_76, %and3A_120] : memref<512x128xf32, #tpu.memory_space<vmem>>[vector<16xi32>, vector<16xi32>], vector<16xf32>,
          %mul3A_123 = arith.mulf %gather3A_121, %gather3A_122 : vector<16xf32>
          %add3A_124 = arith.addf %add3A_102, %mul3A_123 : vector<16xf32>
          %add3A_125 = arith.constant 3 : i32
          %add3A_126 = arith.addi %add3A_125, %mul3A_93 : i32
          %add3A_127 = vector.broadcast %add3A_126 : i32 to vector<16xi32>
          %add3A_128 = arith.addi %iota3A, %add3A_127 : vector<16xi32>
          %and3A_129 = arith.constant 127 : i32
          %and3A_130 = vector.broadcast %and3A_129 : i32 to vector<16xi32>
          %and3A_131 = arith.andi %add3A_128, %and3A_130 : vector<16xi32>
          %gather3A_132 = tpu.vector_load_idx %arg8[%add3A_80, %and3A_131] : memref<128x128xf32, #tpu.memory_space<vmem>>[vector<16xi32>, vector<16xi32>], vector<16xf32>,
          %gather3A_133 = tpu.vector_load_idx %arg6[%get3A_76, %and3A_131] : memref<512x128xf32, #tpu.memory_space<vmem>>[vector<16xi32>, vector<16xi32>], vector<16xf32>,
          %mul3A_134 = arith.mulf %gather3A_132, %gather3A_133 : vector<16xf32>
          %add3A_135 = arith.addf %add3A_113, %mul3A_134 : vector<16xf32>
          %add3A_136 = arith.constant 4 : i32
          %add3A_137 = arith.addi %add3A_136, %mul3A_93 : i32
          %add3A_138 = vector.broadcast %add3A_137 : i32 to vector<16xi32>
          %add3A_139 = arith.addi %iota3A, %add3A_138 : vector<16xi32>
          %and3A_140 = arith.constant 127 : i32
          %and3A_141 = vector.broadcast %and3A_140 : i32 to vector<16xi32>
          %and3A_142 = arith.andi %add3A_139, %and3A_141 : vector<16xi32>
          %gather3A_143 = tpu.vector_load_idx %arg8[%add3A_80, %and3A_142] : memref<128x128xf32, #tpu.memory_space<vmem>>[vector<16xi32>, vector<16xi32>], vector<16xf32>,
          %gather3A_144 = tpu.vector_load_idx %arg6[%get3A_76, %and3A_142] : memref<512x128xf32, #tpu.memory_space<vmem>>[vector<16xi32>, vector<16xi32>], vector<16xf32>,
          %mul3A_145 = arith.mulf %gather3A_143, %gather3A_144 : vector<16xf32>
          %add3A_146 = arith.addf %add3A_124, %mul3A_145 : vector<16xf32>
          %add3A_147 = arith.constant 5 : i32
          %add3A_148 = arith.addi %add3A_147, %mul3A_93 : i32
          %add3A_149 = vector.broadcast %add3A_148 : i32 to vector<16xi32>
          %add3A_150 = arith.addi %iota3A, %add3A_149 : vector<16xi32>
          %and3A_151 = arith.constant 127 : i32
          %and3A_152 = vector.broadcast %and3A_151 : i32 to vector<16xi32>
          %and3A_153 = arith.andi %add3A_150, %and3A_152 : vector<16xi32>
          %gather3A_154 = tpu.vector_load_idx %arg8[%add3A_80, %and3A_153] : memref<128x128xf32, #tpu.memory_space<vmem>>[vector<16xi32>, vector<16xi32>], vector<16xf32>,
          %gather3A_155 = tpu.vector_load_idx %arg6[%get3A_76, %and3A_153] : memref<512x128xf32, #tpu.memory_space<vmem>>[vector<16xi32>, vector<16xi32>], vector<16xf32>,
          %mul3A_156 = arith.mulf %gather3A_154, %gather3A_155 : vector<16xf32>
          %add3A_157 = arith.addf %add3A_135, %mul3A_156 : vector<16xf32>
          %add3A_158 = arith.constant 6 : i32
          %add3A_159 = arith.addi %add3A_158, %mul3A_93 : i32
          %add3A_160 = vector.broadcast %add3A_159 : i32 to vector<16xi32>
          %add3A_161 = arith.addi %iota3A, %add3A_160 : vector<16xi32>
          %and3A_162 = arith.constant 127 : i32
          %and3A_163 = vector.broadcast %and3A_162 : i32 to vector<16xi32>
          %and3A_164 = arith.andi %add3A_161, %and3A_163 : vector<16xi32>
          %gather3A_165 = tpu.vector_load_idx %arg8[%add3A_80, %and3A_164] : memref<128x128xf32, #tpu.memory_space<vmem>>[vector<16xi32>, vector<16xi32>], vector<16xf32>,
          %gather3A_166 = tpu.vector_load_idx %arg6[%get3A_76, %and3A_164] : memref<512x128xf32, #tpu.memory_space<vmem>>[vector<16xi32>, vector<16xi32>], vector<16xf32>,
          %mul3A_167 = arith.mulf %gather3A_165, %gather3A_166 : vector<16xf32>
          %add3A_168 = arith.addf %add3A_146, %mul3A_167 : vector<16xf32>
          %add3A_169 = arith.constant 7 : i32
          %add3A_170 = arith.addi %add3A_169, %mul3A_93 : i32
          %add3A_171 = vector.broadcast %add3A_170 : i32 to vector<16xi32>
          %add3A_172 = arith.addi %iota3A, %add3A_171 : vector<16xi32>
          %and3A_173 = arith.constant 127 : i32
          %and3A_174 = vector.broadcast %and3A_173 : i32 to vector<16xi32>
          %and3A_175 = arith.andi %add3A_172, %and3A_174 : vector<16xi32>
          %gather3A_176 = tpu.vector_load_idx %arg8[%add3A_80, %and3A_175] : memref<128x128xf32, #tpu.memory_space<vmem>>[vector<16xi32>, vector<16xi32>], vector<16xf32>,
          %gather3A_177 = tpu.vector_load_idx %arg6[%get3A_76, %and3A_175] : memref<512x128xf32, #tpu.memory_space<vmem>>[vector<16xi32>, vector<16xi32>], vector<16xf32>,
          %mul3A_178 = arith.mulf %gather3A_176, %gather3A_177 : vector<16xf32>
          %add3A_179 = arith.addf %add3A_157, %mul3A_178 : vector<16xf32>
          %add3A_180 = arith.constant 8 : i32
          %add3A_181 = arith.addi %add3A_180, %mul3A_93 : i32
          %add3A_182 = vector.broadcast %add3A_181 : i32 to vector<16xi32>
          %add3A_183 = arith.addi %iota3A, %add3A_182 : vector<16xi32>
          %and3A_184 = arith.constant 127 : i32
          %and3A_185 = vector.broadcast %and3A_184 : i32 to vector<16xi32>
          %and3A_186 = arith.andi %add3A_183, %and3A_185 : vector<16xi32>
          %gather3A_187 = tpu.vector_load_idx %arg8[%add3A_80, %and3A_186] : memref<128x128xf32, #tpu.memory_space<vmem>>[vector<16xi32>, vector<16xi32>], vector<16xf32>,
          %gather3A_188 = tpu.vector_load_idx %arg6[%get3A_76, %and3A_186] : memref<512x128xf32, #tpu.memory_space<vmem>>[vector<16xi32>, vector<16xi32>], vector<16xf32>,
          %mul3A_189 = arith.mulf %gather3A_187, %gather3A_188 : vector<16xf32>
          %add3A_190 = arith.addf %add3A_168, %mul3A_189 : vector<16xf32>
          %add3A_191 = arith.constant 9 : i32
          %add3A_192 = arith.addi %add3A_191, %mul3A_93 : i32
          %add3A_193 = vector.broadcast %add3A_192 : i32 to vector<16xi32>
          %add3A_194 = arith.addi %iota3A, %add3A_193 : vector<16xi32>
          %and3A_195 = arith.constant 127 : i32
          %and3A_196 = vector.broadcast %and3A_195 : i32 to vector<16xi32>
          %and3A_197 = arith.andi %add3A_194, %and3A_196 : vector<16xi32>
          %gather3A_198 = tpu.vector_load_idx %arg8[%add3A_80, %and3A_197] : memref<128x128xf32, #tpu.memory_space<vmem>>[vector<16xi32>, vector<16xi32>], vector<16xf32>,
          %gather3A_199 = tpu.vector_load_idx %arg6[%get3A_76, %and3A_197] : memref<512x128xf32, #tpu.memory_space<vmem>>[vector<16xi32>, vector<16xi32>], vector<16xf32>,
          %mul3A_200 = arith.mulf %gather3A_198, %gather3A_199 : vector<16xf32>
          %add3A_201 = arith.addf %add3A_179, %mul3A_200 : vector<16xf32>
          %add3A_202 = arith.constant 10 : i32
          %add3A_203 = arith.addi %add3A_202, %mul3A_93 : i32
          %add3A_204 = vector.broadcast %add3A_203 : i32 to vector<16xi32>
          %add3A_205 = arith.addi %iota3A, %add3A_204 : vector<16xi32>
          %and3A_206 = arith.constant 127 : i32
          %and3A_207 = vector.broadcast %and3A_206 : i32 to vector<16xi32>
          %and3A_208 = arith.andi %add3A_205, %and3A_207 : vector<16xi32>
          %gather3A_209 = tpu.vector_load_idx %arg8[%add3A_80, %and3A_208] : memref<128x128xf32, #tpu.memory_space<vmem>>[vector<16xi32>, vector<16xi32>], vector<16xf32>,
          %gather3A_210 = tpu.vector_load_idx %arg6[%get3A_76, %and3A_208] : memref<512x128xf32, #tpu.memory_space<vmem>>[vector<16xi32>, vector<16xi32>], vector<16xf32>,
          %mul3A_211 = arith.mulf %gather3A_209, %gather3A_210 : vector<16xf32>
          %add3A_212 = arith.addf %add3A_190, %mul3A_211 : vector<16xf32>
          %add3A_213 = arith.constant 11 : i32
          %add3A_214 = arith.addi %add3A_213, %mul3A_93 : i32
          %add3A_215 = vector.broadcast %add3A_214 : i32 to vector<16xi32>
          %add3A_216 = arith.addi %iota3A, %add3A_215 : vector<16xi32>
          %and3A_217 = arith.constant 127 : i32
          %and3A_218 = vector.broadcast %and3A_217 : i32 to vector<16xi32>
          %and3A_219 = arith.andi %add3A_216, %and3A_218 : vector<16xi32>
          %gather3A_220 = tpu.vector_load_idx %arg8[%add3A_80, %and3A_219] : memref<128x128xf32, #tpu.memory_space<vmem>>[vector<16xi32>, vector<16xi32>], vector<16xf32>,
          %gather3A_221 = tpu.vector_load_idx %arg6[%get3A_76, %and3A_219] : memref<512x128xf32, #tpu.memory_space<vmem>>[vector<16xi32>, vector<16xi32>], vector<16xf32>,
          %mul3A_222 = arith.mulf %gather3A_220, %gather3A_221 : vector<16xf32>
          %add3A_223 = arith.addf %add3A_201, %mul3A_222 : vector<16xf32>
          %add3A_224 = arith.constant 12 : i32
          %add3A_225 = arith.addi %add3A_224, %mul3A_93 : i32
          %add3A_226 = vector.broadcast %add3A_225 : i32 to vector<16xi32>
          %add3A_227 = arith.addi %iota3A, %add3A_226 : vector<16xi32>
          %and3A_228 = arith.constant 127 : i32
          %and3A_229 = vector.broadcast %and3A_228 : i32 to vector<16xi32>
          %and3A_230 = arith.andi %add3A_227, %and3A_229 : vector<16xi32>
          %gather3A_231 = tpu.vector_load_idx %arg8[%add3A_80, %and3A_230] : memref<128x128xf32, #tpu.memory_space<vmem>>[vector<16xi32>, vector<16xi32>], vector<16xf32>,
          %gather3A_232 = tpu.vector_load_idx %arg6[%get3A_76, %and3A_230] : memref<512x128xf32, #tpu.memory_space<vmem>>[vector<16xi32>, vector<16xi32>], vector<16xf32>,
          %mul3A_233 = arith.mulf %gather3A_231, %gather3A_232 : vector<16xf32>
          %add3A_234 = arith.addf %add3A_212, %mul3A_233 : vector<16xf32>
          %add3A_235 = arith.constant 13 : i32
          %add3A_236 = arith.addi %add3A_235, %mul3A_93 : i32
          %add3A_237 = vector.broadcast %add3A_236 : i32 to vector<16xi32>
          %add3A_238 = arith.addi %iota3A, %add3A_237 : vector<16xi32>
          %and3A_239 = arith.constant 127 : i32
          %and3A_240 = vector.broadcast %and3A_239 : i32 to vector<16xi32>
          %and3A_241 = arith.andi %add3A_238, %and3A_240 : vector<16xi32>
          %gather3A_242 = tpu.vector_load_idx %arg8[%add3A_80, %and3A_241] : memref<128x128xf32, #tpu.memory_space<vmem>>[vector<16xi32>, vector<16xi32>], vector<16xf32>,
          %gather3A_243 = tpu.vector_load_idx %arg6[%get3A_76, %and3A_241] : memref<512x128xf32, #tpu.memory_space<vmem>>[vector<16xi32>, vector<16xi32>], vector<16xf32>,
          %mul3A_244 = arith.mulf %gather3A_242, %gather3A_243 : vector<16xf32>
          %add3A_245 = arith.addf %add3A_223, %mul3A_244 : vector<16xf32>
          %add3A_246 = arith.constant 14 : i32
          %add3A_247 = arith.addi %add3A_246, %mul3A_93 : i32
          %add3A_248 = vector.broadcast %add3A_247 : i32 to vector<16xi32>
          %add3A_249 = arith.addi %iota3A, %add3A_248 : vector<16xi32>
          %and3A_250 = arith.constant 127 : i32
          %and3A_251 = vector.broadcast %and3A_250 : i32 to vector<16xi32>
          %and3A_252 = arith.andi %add3A_249, %and3A_251 : vector<16xi32>
          %gather3A_253 = tpu.vector_load_idx %arg8[%add3A_80, %and3A_252] : memref<128x128xf32, #tpu.memory_space<vmem>>[vector<16xi32>, vector<16xi32>], vector<16xf32>,
          %gather3A_254 = tpu.vector_load_idx %arg6[%get3A_76, %and3A_252] : memref<512x128xf32, #tpu.memory_space<vmem>>[vector<16xi32>, vector<16xi32>], vector<16xf32>,
          %mul3A_255 = arith.mulf %gather3A_253, %gather3A_254 : vector<16xf32>
          %add3A_256 = arith.addf %add3A_234, %mul3A_255 : vector<16xf32>
          %add3A_257 = arith.constant 15 : i32
          %add3A_258 = arith.addi %add3A_257, %mul3A_93 : i32
          %add3A_259 = vector.broadcast %add3A_258 : i32 to vector<16xi32>
          %add3A_260 = arith.addi %iota3A, %add3A_259 : vector<16xi32>
          %and3A_261 = arith.constant 127 : i32
          %and3A_262 = vector.broadcast %and3A_261 : i32 to vector<16xi32>
          %and3A_263 = arith.andi %add3A_260, %and3A_262 : vector<16xi32>
          %gather3A_264 = tpu.vector_load_idx %arg8[%add3A_80, %and3A_263] : memref<128x128xf32, #tpu.memory_space<vmem>>[vector<16xi32>, vector<16xi32>], vector<16xf32>,
          %gather3A_265 = tpu.vector_load_idx %arg6[%get3A_76, %and3A_263] : memref<512x128xf32, #tpu.memory_space<vmem>>[vector<16xi32>, vector<16xi32>], vector<16xf32>,
          %mul3A_266 = arith.mulf %gather3A_264, %gather3A_265 : vector<16xf32>
          %add3A_267 = arith.addf %add3A_245, %mul3A_266 : vector<16xf32>
          scf.yield %add3A_256, %add3A_267 : vector<16xf32>, vector<16xf32>
        }
        %scan3A_86 = arith.constant 8 : i32
        %add3A_87 = arith.addf %scan3A_85#0, %scan3A_85#1 : vector<16xf32>
        %swap3A = arith.index_cast %add3A_75 : i32 to index
        %swap3A_88 = tpu.vector_load %arg10[%swap3A] {strides = array<i32>} : memref<4096xf32, #tpu.memory_space<vmem>>, vector<16xf32>,
        tpu.vector_store %arg10[%swap3A], %add3A_87 {strides = array<i32>} : memref<4096xf32, #tpu.memory_space<vmem>>, vector<16xf32>,
      }
      %scan3A_39 = arith.constant 8 : i32
      %add3A_40 = arith.constant 2 : i32
      %add3A_41 = arith.addi %add3A_25, %add3A_40 : i32
      %lt3A = arith.constant 32 : i32
      %lt3A_42 = arith.cmpi slt, %add3A_41, %lt3A : i32
      %convert_element_type3A = arith.extui %lt3A_42 : i1 to i32
      %cond3A = arith.constant 0 : i32
      %cond3A_43 = arith.cmpi ne, %convert_element_type3A, %cond3A : i32
      scf.if %cond3A_43 {
        %add3A_70 = arith.constant 2 : i32
        %add3A_71 = arith.addi %add3A_25, %add3A_70 : i32
        %mul3A_72 = arith.constant 128 : i32
        %mul3A_73 = arith.muli %add3A_71, %mul3A_72 : i32
        %add3A_74 = arith.addi %mul3A_0, %mul3A_73 : i32
        %dma_start3A_75 = arith.constant 0 : i32
        %dma_start3A_76 = tpu.memref_slice %arg2[%add3A_74, %arg1, %dma_start3A_75] : memref<8192x16x128xf32, #tpu.memory_space<hbm>> -> memref<128x1x128xf32, #tpu.memory_space<hbm>>
        %dma_start3A_77 = tpu.memref_squeeze %dma_start3A_76 : memref<128x1x128xf32, #tpu.memory_space<hbm>> -> memref<128x128xf32, #tpu.memory_space<hbm>>
        %dma_start3A_78 = arith.constant 0 : i32
        %dma_start3A_79 = tpu.memref_slice %arg2[%add3A_74, %arg1, %dma_start3A_78] : memref<8192x16x128xf32, #tpu.memory_space<hbm>> -> memref<128x1x128xf32, #tpu.memory_space<hbm>>
        %dma_start3A_80 = tpu.memref_squeeze %dma_start3A_79 : memref<128x1x128xf32, #tpu.memory_space<hbm>> -> memref<128x128xf32, #tpu.memory_space<hbm>>
        tpu.enqueue_dma source(%dma_start3A_80 : memref<128x128xf32, #tpu.memory_space<hbm>>) target(%arg8 : memref<128x128xf32, #tpu.memory_space<vmem>>) target_semaphore(%arg11 : memref<!tpu.dma_semaphore, #tpu.memory_space<semaphore_mem>>)
      } else {
      }
      %mul3A_44 = arith.constant 2 : i32
      %mul3A_45 = arith.muli %scan3A_21, %mul3A_44 : i32
      %add3A_46 = arith.constant 1 : i32
      %add3A_47 = arith.addi %mul3A_45, %add3A_46 : i32
      %mul3A_48 = arith.constant 128 : i32
      %mul3A_49 = arith.muli %add3A_47, %mul3A_48 : i32
      %add3A_50 = arith.addi %mul3A_0, %mul3A_49 : i32
      %dma_wait3A_51 = arith.constant 0 : i32
      %dma_wait3A_52 = tpu.memref_slice %arg2[%add3A_50, %arg1, %dma_wait3A_51] : memref<8192x16x128xf32, #tpu.memory_space<hbm>> -> memref<128x1x128xf32, #tpu.memory_space<hbm>>
      %dma_wait3A_53 = tpu.memref_squeeze %dma_wait3A_52 : memref<128x1x128xf32, #tpu.memory_space<hbm>> -> memref<128x128xf32, #tpu.memory_space<hbm>>
      %dma_wait3A_54 = arith.constant 0 : i32
      %dma_wait3A_55 = tpu.memref_slice %arg2[%add3A_50, %arg1, %dma_wait3A_54] : memref<8192x16x128xf32, #tpu.memory_space<hbm>> -> memref<128x1x128xf32, #tpu.memory_space<hbm>>
      %dma_wait3A_56 = tpu.memref_squeeze %dma_wait3A_55 : memref<128x1x128xf32, #tpu.memory_space<hbm>> -> memref<128x128xf32, #tpu.memory_space<hbm>>
      tpu.wait_dma2 semaphore(%arg12 : memref<!tpu.dma_semaphore, #tpu.memory_space<semaphore_mem>>) src(%dma_wait3A_56 : memref<128x128xf32, #tpu.memory_space<hbm>>) dst(%arg9 : memref<128x128xf32, #tpu.memory_space<vmem>>)
      %scan3A_57 = arith.constant 0 : i32
      %scan3A_58 = arith.constant 0 : i32
      %scan3A_59 = arith.constant 8 : i32
      %scan3A_60 = arith.addi %scan3A_58, %scan3A_59 : i32
      %scan3A_61 = arith.constant 1 : i32
      scf.for %scan3A_70 = %scan3A_58 to %scan3A_60 step %scan3A_61  : i32 {
        %mul3A_71 = arith.constant 128 : i32
        %mul3A_72 = arith.muli %add3A_47, %mul3A_71 : i32
        %mul3A_73 = arith.constant 16 : i32
        %mul3A_74 = arith.muli %scan3A_70, %mul3A_73 : i32
        %add3A_75 = arith.addi %mul3A_72, %mul3A_74 : i32
        %get3A = arith.index_cast %add3A_75 : i32 to index
        %get3A_76 = tpu.vector_load %arg7[%get3A] {strides = array<i32>} : memref<4096xi32, #tpu.memory_space<vmem>>, vector<16xi32>,
        %mul3A_77 = arith.constant 16 : i32
        %mul3A_78 = arith.muli %scan3A_70, %mul3A_77 : i32
        %add3A_79 = vector.broadcast %mul3A_78 : i32 to vector<16xi32>
        %add3A_80 = arith.addi %iota3A, %add3A_79 : vector<16xi32>
        %scan3A_81 = arith.constant 0 : i32
        %scan3A_82 = arith.constant 8 : i32
        %scan3A_83 = arith.addi %scan3A_81, %scan3A_82 : i32
        %scan3A_84 = arith.constant 1 : i32
        %scan3A_85:2 = scf.for %scan3A_89 = %scan3A_81 to %scan3A_83 step %scan3A_84 iter_args(%scan3A_90 = %broadcast_in_dim3A_15, %scan3A_91 = %broadcast_in_dim3A_15) -> (vector<16xf32>, vector<16xf32>)  : i32 {
          %mul3A_92 = arith.constant 16 : i32
          %mul3A_93 = arith.muli %scan3A_89, %mul3A_92 : i32
          %add3A_94 = arith.constant 0 : i32
          %add3A_95 = arith.addi %add3A_94, %mul3A_93 : i32
          %add3A_96 = vector.broadcast %add3A_95 : i32 to vector<16xi32>
          %add3A_97 = arith.addi %iota3A, %add3A_96 : vector<16xi32>
          %and3A = arith.constant 127 : i32
          %and3A_98 = vector.broadcast %and3A : i32 to vector<16xi32>
          %and3A_99 = arith.andi %add3A_97, %and3A_98 : vector<16xi32>
          %gather3A = tpu.vector_load_idx %arg9[%add3A_80, %and3A_99] : memref<128x128xf32, #tpu.memory_space<vmem>>[vector<16xi32>, vector<16xi32>], vector<16xf32>,
          %gather3A_100 = tpu.vector_load_idx %arg6[%get3A_76, %and3A_99] : memref<512x128xf32, #tpu.memory_space<vmem>>[vector<16xi32>, vector<16xi32>], vector<16xf32>,
          %mul3A_101 = arith.mulf %gather3A, %gather3A_100 : vector<16xf32>
          %add3A_102 = arith.addf %scan3A_90, %mul3A_101 : vector<16xf32>
          %add3A_103 = arith.constant 1 : i32
          %add3A_104 = arith.addi %add3A_103, %mul3A_93 : i32
          %add3A_105 = vector.broadcast %add3A_104 : i32 to vector<16xi32>
          %add3A_106 = arith.addi %iota3A, %add3A_105 : vector<16xi32>
          %and3A_107 = arith.constant 127 : i32
          %and3A_108 = vector.broadcast %and3A_107 : i32 to vector<16xi32>
          %and3A_109 = arith.andi %add3A_106, %and3A_108 : vector<16xi32>
          %gather3A_110 = tpu.vector_load_idx %arg9[%add3A_80, %and3A_109] : memref<128x128xf32, #tpu.memory_space<vmem>>[vector<16xi32>, vector<16xi32>], vector<16xf32>,
          %gather3A_111 = tpu.vector_load_idx %arg6[%get3A_76, %and3A_109] : memref<512x128xf32, #tpu.memory_space<vmem>>[vector<16xi32>, vector<16xi32>], vector<16xf32>,
          %mul3A_112 = arith.mulf %gather3A_110, %gather3A_111 : vector<16xf32>
          %add3A_113 = arith.addf %scan3A_91, %mul3A_112 : vector<16xf32>
          %add3A_114 = arith.constant 2 : i32
          %add3A_115 = arith.addi %add3A_114, %mul3A_93 : i32
          %add3A_116 = vector.broadcast %add3A_115 : i32 to vector<16xi32>
          %add3A_117 = arith.addi %iota3A, %add3A_116 : vector<16xi32>
          %and3A_118 = arith.constant 127 : i32
          %and3A_119 = vector.broadcast %and3A_118 : i32 to vector<16xi32>
          %and3A_120 = arith.andi %add3A_117, %and3A_119 : vector<16xi32>
          %gather3A_121 = tpu.vector_load_idx %arg9[%add3A_80, %and3A_120] : memref<128x128xf32, #tpu.memory_space<vmem>>[vector<16xi32>, vector<16xi32>], vector<16xf32>,
          %gather3A_122 = tpu.vector_load_idx %arg6[%get3A_76, %and3A_120] : memref<512x128xf32, #tpu.memory_space<vmem>>[vector<16xi32>, vector<16xi32>], vector<16xf32>,
          %mul3A_123 = arith.mulf %gather3A_121, %gather3A_122 : vector<16xf32>
          %add3A_124 = arith.addf %add3A_102, %mul3A_123 : vector<16xf32>
          %add3A_125 = arith.constant 3 : i32
          %add3A_126 = arith.addi %add3A_125, %mul3A_93 : i32
          %add3A_127 = vector.broadcast %add3A_126 : i32 to vector<16xi32>
          %add3A_128 = arith.addi %iota3A, %add3A_127 : vector<16xi32>
          %and3A_129 = arith.constant 127 : i32
          %and3A_130 = vector.broadcast %and3A_129 : i32 to vector<16xi32>
          %and3A_131 = arith.andi %add3A_128, %and3A_130 : vector<16xi32>
          %gather3A_132 = tpu.vector_load_idx %arg9[%add3A_80, %and3A_131] : memref<128x128xf32, #tpu.memory_space<vmem>>[vector<16xi32>, vector<16xi32>], vector<16xf32>,
          %gather3A_133 = tpu.vector_load_idx %arg6[%get3A_76, %and3A_131] : memref<512x128xf32, #tpu.memory_space<vmem>>[vector<16xi32>, vector<16xi32>], vector<16xf32>,
          %mul3A_134 = arith.mulf %gather3A_132, %gather3A_133 : vector<16xf32>
          %add3A_135 = arith.addf %add3A_113, %mul3A_134 : vector<16xf32>
          %add3A_136 = arith.constant 4 : i32
          %add3A_137 = arith.addi %add3A_136, %mul3A_93 : i32
          %add3A_138 = vector.broadcast %add3A_137 : i32 to vector<16xi32>
          %add3A_139 = arith.addi %iota3A, %add3A_138 : vector<16xi32>
          %and3A_140 = arith.constant 127 : i32
          %and3A_141 = vector.broadcast %and3A_140 : i32 to vector<16xi32>
          %and3A_142 = arith.andi %add3A_139, %and3A_141 : vector<16xi32>
          %gather3A_143 = tpu.vector_load_idx %arg9[%add3A_80, %and3A_142] : memref<128x128xf32, #tpu.memory_space<vmem>>[vector<16xi32>, vector<16xi32>], vector<16xf32>,
          %gather3A_144 = tpu.vector_load_idx %arg6[%get3A_76, %and3A_142] : memref<512x128xf32, #tpu.memory_space<vmem>>[vector<16xi32>, vector<16xi32>], vector<16xf32>,
          %mul3A_145 = arith.mulf %gather3A_143, %gather3A_144 : vector<16xf32>
          %add3A_146 = arith.addf %add3A_124, %mul3A_145 : vector<16xf32>
          %add3A_147 = arith.constant 5 : i32
          %add3A_148 = arith.addi %add3A_147, %mul3A_93 : i32
          %add3A_149 = vector.broadcast %add3A_148 : i32 to vector<16xi32>
          %add3A_150 = arith.addi %iota3A, %add3A_149 : vector<16xi32>
          %and3A_151 = arith.constant 127 : i32
          %and3A_152 = vector.broadcast %and3A_151 : i32 to vector<16xi32>
          %and3A_153 = arith.andi %add3A_150, %and3A_152 : vector<16xi32>
          %gather3A_154 = tpu.vector_load_idx %arg9[%add3A_80, %and3A_153] : memref<128x128xf32, #tpu.memory_space<vmem>>[vector<16xi32>, vector<16xi32>], vector<16xf32>,
          %gather3A_155 = tpu.vector_load_idx %arg6[%get3A_76, %and3A_153] : memref<512x128xf32, #tpu.memory_space<vmem>>[vector<16xi32>, vector<16xi32>], vector<16xf32>,
          %mul3A_156 = arith.mulf %gather3A_154, %gather3A_155 : vector<16xf32>
          %add3A_157 = arith.addf %add3A_135, %mul3A_156 : vector<16xf32>
          %add3A_158 = arith.constant 6 : i32
          %add3A_159 = arith.addi %add3A_158, %mul3A_93 : i32
          %add3A_160 = vector.broadcast %add3A_159 : i32 to vector<16xi32>
          %add3A_161 = arith.addi %iota3A, %add3A_160 : vector<16xi32>
          %and3A_162 = arith.constant 127 : i32
          %and3A_163 = vector.broadcast %and3A_162 : i32 to vector<16xi32>
          %and3A_164 = arith.andi %add3A_161, %and3A_163 : vector<16xi32>
          %gather3A_165 = tpu.vector_load_idx %arg9[%add3A_80, %and3A_164] : memref<128x128xf32, #tpu.memory_space<vmem>>[vector<16xi32>, vector<16xi32>], vector<16xf32>,
          %gather3A_166 = tpu.vector_load_idx %arg6[%get3A_76, %and3A_164] : memref<512x128xf32, #tpu.memory_space<vmem>>[vector<16xi32>, vector<16xi32>], vector<16xf32>,
          %mul3A_167 = arith.mulf %gather3A_165, %gather3A_166 : vector<16xf32>
          %add3A_168 = arith.addf %add3A_146, %mul3A_167 : vector<16xf32>
          %add3A_169 = arith.constant 7 : i32
          %add3A_170 = arith.addi %add3A_169, %mul3A_93 : i32
          %add3A_171 = vector.broadcast %add3A_170 : i32 to vector<16xi32>
          %add3A_172 = arith.addi %iota3A, %add3A_171 : vector<16xi32>
          %and3A_173 = arith.constant 127 : i32
          %and3A_174 = vector.broadcast %and3A_173 : i32 to vector<16xi32>
          %and3A_175 = arith.andi %add3A_172, %and3A_174 : vector<16xi32>
          %gather3A_176 = tpu.vector_load_idx %arg9[%add3A_80, %and3A_175] : memref<128x128xf32, #tpu.memory_space<vmem>>[vector<16xi32>, vector<16xi32>], vector<16xf32>,
          %gather3A_177 = tpu.vector_load_idx %arg6[%get3A_76, %and3A_175] : memref<512x128xf32, #tpu.memory_space<vmem>>[vector<16xi32>, vector<16xi32>], vector<16xf32>,
          %mul3A_178 = arith.mulf %gather3A_176, %gather3A_177 : vector<16xf32>
          %add3A_179 = arith.addf %add3A_157, %mul3A_178 : vector<16xf32>
          %add3A_180 = arith.constant 8 : i32
          %add3A_181 = arith.addi %add3A_180, %mul3A_93 : i32
          %add3A_182 = vector.broadcast %add3A_181 : i32 to vector<16xi32>
          %add3A_183 = arith.addi %iota3A, %add3A_182 : vector<16xi32>
          %and3A_184 = arith.constant 127 : i32
          %and3A_185 = vector.broadcast %and3A_184 : i32 to vector<16xi32>
          %and3A_186 = arith.andi %add3A_183, %and3A_185 : vector<16xi32>
          %gather3A_187 = tpu.vector_load_idx %arg9[%add3A_80, %and3A_186] : memref<128x128xf32, #tpu.memory_space<vmem>>[vector<16xi32>, vector<16xi32>], vector<16xf32>,
          %gather3A_188 = tpu.vector_load_idx %arg6[%get3A_76, %and3A_186] : memref<512x128xf32, #tpu.memory_space<vmem>>[vector<16xi32>, vector<16xi32>], vector<16xf32>,
          %mul3A_189 = arith.mulf %gather3A_187, %gather3A_188 : vector<16xf32>
          %add3A_190 = arith.addf %add3A_168, %mul3A_189 : vector<16xf32>
          %add3A_191 = arith.constant 9 : i32
          %add3A_192 = arith.addi %add3A_191, %mul3A_93 : i32
          %add3A_193 = vector.broadcast %add3A_192 : i32 to vector<16xi32>
          %add3A_194 = arith.addi %iota3A, %add3A_193 : vector<16xi32>
          %and3A_195 = arith.constant 127 : i32
          %and3A_196 = vector.broadcast %and3A_195 : i32 to vector<16xi32>
          %and3A_197 = arith.andi %add3A_194, %and3A_196 : vector<16xi32>
          %gather3A_198 = tpu.vector_load_idx %arg9[%add3A_80, %and3A_197] : memref<128x128xf32, #tpu.memory_space<vmem>>[vector<16xi32>, vector<16xi32>], vector<16xf32>,
          %gather3A_199 = tpu.vector_load_idx %arg6[%get3A_76, %and3A_197] : memref<512x128xf32, #tpu.memory_space<vmem>>[vector<16xi32>, vector<16xi32>], vector<16xf32>,
          %mul3A_200 = arith.mulf %gather3A_198, %gather3A_199 : vector<16xf32>
          %add3A_201 = arith.addf %add3A_179, %mul3A_200 : vector<16xf32>
          %add3A_202 = arith.constant 10 : i32
          %add3A_203 = arith.addi %add3A_202, %mul3A_93 : i32
          %add3A_204 = vector.broadcast %add3A_203 : i32 to vector<16xi32>
          %add3A_205 = arith.addi %iota3A, %add3A_204 : vector<16xi32>
          %and3A_206 = arith.constant 127 : i32
          %and3A_207 = vector.broadcast %and3A_206 : i32 to vector<16xi32>
          %and3A_208 = arith.andi %add3A_205, %and3A_207 : vector<16xi32>
          %gather3A_209 = tpu.vector_load_idx %arg9[%add3A_80, %and3A_208] : memref<128x128xf32, #tpu.memory_space<vmem>>[vector<16xi32>, vector<16xi32>], vector<16xf32>,
          %gather3A_210 = tpu.vector_load_idx %arg6[%get3A_76, %and3A_208] : memref<512x128xf32, #tpu.memory_space<vmem>>[vector<16xi32>, vector<16xi32>], vector<16xf32>,
          %mul3A_211 = arith.mulf %gather3A_209, %gather3A_210 : vector<16xf32>
          %add3A_212 = arith.addf %add3A_190, %mul3A_211 : vector<16xf32>
          %add3A_213 = arith.constant 11 : i32
          %add3A_214 = arith.addi %add3A_213, %mul3A_93 : i32
          %add3A_215 = vector.broadcast %add3A_214 : i32 to vector<16xi32>
          %add3A_216 = arith.addi %iota3A, %add3A_215 : vector<16xi32>
          %and3A_217 = arith.constant 127 : i32
          %and3A_218 = vector.broadcast %and3A_217 : i32 to vector<16xi32>
          %and3A_219 = arith.andi %add3A_216, %and3A_218 : vector<16xi32>
          %gather3A_220 = tpu.vector_load_idx %arg9[%add3A_80, %and3A_219] : memref<128x128xf32, #tpu.memory_space<vmem>>[vector<16xi32>, vector<16xi32>], vector<16xf32>,
          %gather3A_221 = tpu.vector_load_idx %arg6[%get3A_76, %and3A_219] : memref<512x128xf32, #tpu.memory_space<vmem>>[vector<16xi32>, vector<16xi32>], vector<16xf32>,
          %mul3A_222 = arith.mulf %gather3A_220, %gather3A_221 : vector<16xf32>
          %add3A_223 = arith.addf %add3A_201, %mul3A_222 : vector<16xf32>
          %add3A_224 = arith.constant 12 : i32
          %add3A_225 = arith.addi %add3A_224, %mul3A_93 : i32
          %add3A_226 = vector.broadcast %add3A_225 : i32 to vector<16xi32>
          %add3A_227 = arith.addi %iota3A, %add3A_226 : vector<16xi32>
          %and3A_228 = arith.constant 127 : i32
          %and3A_229 = vector.broadcast %and3A_228 : i32 to vector<16xi32>
          %and3A_230 = arith.andi %add3A_227, %and3A_229 : vector<16xi32>
          %gather3A_231 = tpu.vector_load_idx %arg9[%add3A_80, %and3A_230] : memref<128x128xf32, #tpu.memory_space<vmem>>[vector<16xi32>, vector<16xi32>], vector<16xf32>,
          %gather3A_232 = tpu.vector_load_idx %arg6[%get3A_76, %and3A_230] : memref<512x128xf32, #tpu.memory_space<vmem>>[vector<16xi32>, vector<16xi32>], vector<16xf32>,
          %mul3A_233 = arith.mulf %gather3A_231, %gather3A_232 : vector<16xf32>
          %add3A_234 = arith.addf %add3A_212, %mul3A_233 : vector<16xf32>
          %add3A_235 = arith.constant 13 : i32
          %add3A_236 = arith.addi %add3A_235, %mul3A_93 : i32
          %add3A_237 = vector.broadcast %add3A_236 : i32 to vector<16xi32>
          %add3A_238 = arith.addi %iota3A, %add3A_237 : vector<16xi32>
          %and3A_239 = arith.constant 127 : i32
          %and3A_240 = vector.broadcast %and3A_239 : i32 to vector<16xi32>
          %and3A_241 = arith.andi %add3A_238, %and3A_240 : vector<16xi32>
          %gather3A_242 = tpu.vector_load_idx %arg9[%add3A_80, %and3A_241] : memref<128x128xf32, #tpu.memory_space<vmem>>[vector<16xi32>, vector<16xi32>], vector<16xf32>,
          %gather3A_243 = tpu.vector_load_idx %arg6[%get3A_76, %and3A_241] : memref<512x128xf32, #tpu.memory_space<vmem>>[vector<16xi32>, vector<16xi32>], vector<16xf32>,
          %mul3A_244 = arith.mulf %gather3A_242, %gather3A_243 : vector<16xf32>
          %add3A_245 = arith.addf %add3A_223, %mul3A_244 : vector<16xf32>
          %add3A_246 = arith.constant 14 : i32
          %add3A_247 = arith.addi %add3A_246, %mul3A_93 : i32
          %add3A_248 = vector.broadcast %add3A_247 : i32 to vector<16xi32>
          %add3A_249 = arith.addi %iota3A, %add3A_248 : vector<16xi32>
          %and3A_250 = arith.constant 127 : i32
          %and3A_251 = vector.broadcast %and3A_250 : i32 to vector<16xi32>
          %and3A_252 = arith.andi %add3A_249, %and3A_251 : vector<16xi32>
          %gather3A_253 = tpu.vector_load_idx %arg9[%add3A_80, %and3A_252] : memref<128x128xf32, #tpu.memory_space<vmem>>[vector<16xi32>, vector<16xi32>], vector<16xf32>,
          %gather3A_254 = tpu.vector_load_idx %arg6[%get3A_76, %and3A_252] : memref<512x128xf32, #tpu.memory_space<vmem>>[vector<16xi32>, vector<16xi32>], vector<16xf32>,
          %mul3A_255 = arith.mulf %gather3A_253, %gather3A_254 : vector<16xf32>
          %add3A_256 = arith.addf %add3A_234, %mul3A_255 : vector<16xf32>
          %add3A_257 = arith.constant 15 : i32
          %add3A_258 = arith.addi %add3A_257, %mul3A_93 : i32
          %add3A_259 = vector.broadcast %add3A_258 : i32 to vector<16xi32>
          %add3A_260 = arith.addi %iota3A, %add3A_259 : vector<16xi32>
          %and3A_261 = arith.constant 127 : i32
          %and3A_262 = vector.broadcast %and3A_261 : i32 to vector<16xi32>
          %and3A_263 = arith.andi %add3A_260, %and3A_262 : vector<16xi32>
          %gather3A_264 = tpu.vector_load_idx %arg9[%add3A_80, %and3A_263] : memref<128x128xf32, #tpu.memory_space<vmem>>[vector<16xi32>, vector<16xi32>], vector<16xf32>,
          %gather3A_265 = tpu.vector_load_idx %arg6[%get3A_76, %and3A_263] : memref<512x128xf32, #tpu.memory_space<vmem>>[vector<16xi32>, vector<16xi32>], vector<16xf32>,
          %mul3A_266 = arith.mulf %gather3A_264, %gather3A_265 : vector<16xf32>
          %add3A_267 = arith.addf %add3A_245, %mul3A_266 : vector<16xf32>
          scf.yield %add3A_256, %add3A_267 : vector<16xf32>, vector<16xf32>
        }
        %scan3A_86 = arith.constant 8 : i32
        %add3A_87 = arith.addf %scan3A_85#0, %scan3A_85#1 : vector<16xf32>
        %swap3A = arith.index_cast %add3A_75 : i32 to index
        %swap3A_88 = tpu.vector_load %arg10[%swap3A] {strides = array<i32>} : memref<4096xf32, #tpu.memory_space<vmem>>, vector<16xf32>,
        tpu.vector_store %arg10[%swap3A], %add3A_87 {strides = array<i32>} : memref<4096xf32, #tpu.memory_space<vmem>>, vector<16xf32>,
      }
      %scan3A_62 = arith.constant 8 : i32
      %add3A_63 = arith.constant 2 : i32
      %add3A_64 = arith.addi %add3A_47, %add3A_63 : i32
      %lt3A_65 = arith.constant 32 : i32
      %lt3A_66 = arith.cmpi slt, %add3A_64, %lt3A_65 : i32
      %convert_element_type3A_67 = arith.extui %lt3A_66 : i1 to i32
      %cond3A_68 = arith.constant 0 : i32
      %cond3A_69 = arith.cmpi ne, %convert_element_type3A_67, %cond3A_68 : i32
      scf.if %cond3A_69 {
        %add3A_70 = arith.constant 2 : i32
        %add3A_71 = arith.addi %add3A_47, %add3A_70 : i32
        %mul3A_72 = arith.constant 128 : i32
        %mul3A_73 = arith.muli %add3A_71, %mul3A_72 : i32
        %add3A_74 = arith.addi %mul3A_0, %mul3A_73 : i32
        %dma_start3A_75 = arith.constant 0 : i32
        %dma_start3A_76 = tpu.memref_slice %arg2[%add3A_74, %arg1, %dma_start3A_75] : memref<8192x16x128xf32, #tpu.memory_space<hbm>> -> memref<128x1x128xf32, #tpu.memory_space<hbm>>
        %dma_start3A_77 = tpu.memref_squeeze %dma_start3A_76 : memref<128x1x128xf32, #tpu.memory_space<hbm>> -> memref<128x128xf32, #tpu.memory_space<hbm>>
        %dma_start3A_78 = arith.constant 0 : i32
        %dma_start3A_79 = tpu.memref_slice %arg2[%add3A_74, %arg1, %dma_start3A_78] : memref<8192x16x128xf32, #tpu.memory_space<hbm>> -> memref<128x1x128xf32, #tpu.memory_space<hbm>>
        %dma_start3A_80 = tpu.memref_squeeze %dma_start3A_79 : memref<128x1x128xf32, #tpu.memory_space<hbm>> -> memref<128x128xf32, #tpu.memory_space<hbm>>
        tpu.enqueue_dma source(%dma_start3A_80 : memref<128x128xf32, #tpu.memory_space<hbm>>) target(%arg9 : memref<128x128xf32, #tpu.memory_space<vmem>>) target_semaphore(%arg12 : memref<!tpu.dma_semaphore, #tpu.memory_space<semaphore_mem>>)
      } else {
      }
    }
    %scan3A_20 = arith.constant 16 : i32
    "tpu.region"() ({
      %run_scoped3A = tpu.sem_alloc : memref<!tpu.dma_semaphore, #tpu.memory_space<semaphore_mem>>
      %dma_start3A_21 = tpu.memref_slice %arg5[%arg1, %mul3A_0] : memref<16x8192xf32, #tpu.memory_space<hbm>> -> memref<1x4096xf32, #tpu.memory_space<hbm>>
      %dma_start3A_22 = tpu.memref_squeeze %dma_start3A_21 : memref<1x4096xf32, #tpu.memory_space<hbm>> -> memref<4096xf32, #tpu.memory_space<hbm>>
      %dma_start3A_23 = tpu.memref_slice %arg5[%arg1, %mul3A_0] : memref<16x8192xf32, #tpu.memory_space<hbm>> -> memref<1x4096xf32, #tpu.memory_space<hbm>>
      %dma_start3A_24 = tpu.memref_squeeze %dma_start3A_23 : memref<1x4096xf32, #tpu.memory_space<hbm>> -> memref<4096xf32, #tpu.memory_space<hbm>>
      tpu.enqueue_dma source(%arg10 : memref<4096xf32, #tpu.memory_space<vmem>>) target(%dma_start3A_24 : memref<4096xf32, #tpu.memory_space<hbm>>) target_semaphore(%run_scoped3A : memref<!tpu.dma_semaphore, #tpu.memory_space<semaphore_mem>>)
      %dma_wait3A = tpu.memref_slice %arg5[%arg1, %mul3A_0] : memref<16x8192xf32, #tpu.memory_space<hbm>> -> memref<1x4096xf32, #tpu.memory_space<hbm>>
      %dma_wait3A_25 = tpu.memref_squeeze %dma_wait3A : memref<1x4096xf32, #tpu.memory_space<hbm>> -> memref<4096xf32, #tpu.memory_space<hbm>>
      %dma_wait3A_26 = tpu.memref_slice %arg5[%arg1, %mul3A_0] : memref<16x8192xf32, #tpu.memory_space<hbm>> -> memref<1x4096xf32, #tpu.memory_space<hbm>>
      %dma_wait3A_27 = tpu.memref_squeeze %dma_wait3A_26 : memref<1x4096xf32, #tpu.memory_space<hbm>> -> memref<4096xf32, #tpu.memory_space<hbm>>
      tpu.wait_dma2 semaphore(%run_scoped3A : memref<!tpu.dma_semaphore, #tpu.memory_space<semaphore_mem>>) src(%arg10 : memref<4096xf32, #tpu.memory_space<vmem>>) dst(%dma_wait3A_27 : memref<4096xf32, #tpu.memory_space<hbm>>)
      tpu.yield
    }) : () -> ()
    return
  }
}

</mosaic_0001>

<sc_bundles>
// kernel: kernel.3.cloned.1.call-start
scs
__scs_entry_jumppad:
0x0: {  	(pc) =	sbr.rel $0x88, $3  }
0x1: {  	(tag) =	ssettag $0x0;
	lr =	simm.s32 $0x1  }
0x2: {  	[smem:$0x3F9E] =	sst lr;
	_ =	strace $0xD0000000  }
0x3: {  	_ = 	snop  }
0x4: {  	_ = 	snop  }
0x5: {  	_ = 	snop  }
0x6: {  	_ = 	snop  }
0x7: {  	_ = 	snop  }
__scs_overlays_trampoline_lowered:
0x8: {  	[smem:$0x3FAD] =	sst s0  }
0x9: {  	[smem:$0x3FAE] =	sst s1  }
0xa: {  	[smem:$0x3FAF] =	sst s2  }
0xb: {  	[smem:$0x3FB0] =	sst s3  }
0xc: {  	[smem:$0x3FB1] =	sst s4  }
0xd: {  	[smem:$0x3FB2] =	sst s5  }
0xe: {  	[smem:$0x3FB3] =	sst s6  }
0xf: {  	[smem:$0x3FB4] =	sst s7  }
0x10: {  	[smem:$0x3FB5] =	sst s8  }
0x11: {  	[smem:$0x3FB6] =	sst s9;
	s0 =	simm.s32 @!p0 $0x0  }
0x12: {  	s1 =	sld [smem:$0x3F9C];
	s0 =	simm.s32 @p0 $0x1  }
0x13: {  	[smem:$0x3FB7] =	sst s0;
	s0 =	simm.s32 @!p1 $0x0  }
0x14: {  	s2 =	sld [smem:$0x3F9B];
	s0 =	simm.s32 @p1 $0x1  }
0x15: {  	[smem:$0x3FB8] =	sst s0;
	s0 =	simm.s32 @!p2 $0x0  }
0x16: {  	s3 =	sld [smem:$0x3FDB];
	s0 =	simm.s32 @p2 $0x1  }
0x17: {  	s4 =	simm.s32 $0x1BF5;
	[smem:$0x3FBA] =	sst s0  }
0x18: {  	s0 =	sld [smem:$0x3F9D];
	_ =	swait.ge [sflag:s4], $0x0  }
0x19: {  	s7 =	sld [smem:$0x3F9E]  }
0x1a: {  	s8 =	sadd.s32 $0xFFFFE003, lr  }
0x1b: {  	s9 =	sadd.s32 $0xFFFFFEF7, lr;
	s5 =	simm.s32 $0xFFFFFFFF;
	p2 =	slt.u32 s8, $0xFFFFF086  }
0x1c: {  	p1 =	slt.u32 s9, $0xF7A;
	s5 =	simm.s32 @!p2 $0x0  }
0x1d: {  	s5 =	simm.s32 @p1 $0x1;
	p0 =	seq.s32 s7, s2  }
0x1e: {  	s7 =	smul.u32 @!p0 $0xF7A, s2;
	p2 =	seq.s32 @!p0 s5, $0x0  }
0x1f: {  	s9 =	smul.u32 $0xF7A, s1;
	s8 =	simm.s32 @!p0 $0x1BF5;
	p2 =	por !p2, p0  }
0x20: {  	[sflag:s8] =	ssyncset.s32 @!p0 $0xFFFFF086;
	s6 =	sadd.s32 @!p0 s3, s7;
	s7 =	simm.s32 @!p0 $0x108  }
0x21: {  	s3 =	sadd.s32 s3, s9;
	s6 =	sadd.s32 @!p0 $0x88, s6;
	s7 =	simm.s32 @p2 $0x1082  }
0x22: {  	[simem:s7], [sflag:s8] =	dma.local @!p0 [hbm:s6], $0xF7A  }
0x23: {  	s9 =	sor.u32 $0xD0000000, s2;
	s6 =	simm.s32 $0x108;
	_ =	swait.ge @!p0 [sflag:s8], $0x0  }
0x24: {  	s3 =	sadd.s32 $0x88, s3;
	s6 =	simm.s32 @!p1 $0x1082;
	[sflag:s4] =	ssyncset.s32 $0xFFFFF086  }
0x25: {  	[simem:s6], [sflag:s4] =	dma.local [hbm:s3], $0xF7A  }
0x26: {  	[smem:$0x3F9E] =	sst s1;
	(tag) =	ssettag s2;
	_ =	strace s9  }
0x27: {  	s1 =	sld [smem:$0x3FAE]  }
0x28: {  	s2 =	sld [smem:$0x3FAF]  }
0x29: {  	s4 =	sld [smem:$0x3FB1]  }
0x2a: {  	p0 =	seq.s32 s5, $0x0;
	s5 =	sld [smem:$0x3FB2]  }
0x2b: {  	s6 =	sld [smem:$0x3FB3]  }
0x2c: {  	s7 =	sld [smem:$0x3FB4]  }
0x2d: {  	s3 =	simm.s32 $0x108;
	s8 =	sld [smem:$0x3FB5]  }
0x2e: {  	s3 =	simm.s32 @!p0 $0x1082;
	s9 =	sld [smem:$0x3FB6]  }
0x2f: {  	lr =	sadd.s32 s0, s3;
	s0 =	sld [smem:$0x3FAD]  }
0x30: {  	s3 =	sld [smem:$0x3FB0]  }
0x31: {  	[smem:$0x3FB9] =	sst s10  }
0x32: {  	s10 =	sld [smem:$0x3FB7];
	_ =	sdelay $0x3  }
0x33: {  	p0 =	seq.s32 s10, $0x1;
	s10 =	sld [smem:$0x3FB9];
	_ =	sdelay $0x3  }
0x34: {  	[smem:$0x3FB9] =	sst s10  }
0x35: {  	s10 =	sld [smem:$0x3FB8];
	_ =	sdelay $0x3  }
0x36: {  	p1 =	seq.s32 s10, $0x1;
	s10 =	sld [smem:$0x3FB9];
	_ =	sdelay $0x3  }
0x37: {  	[smem:$0x3FB9] =	sst s10  }
0x38: {  	s10 =	sld [smem:$0x3FBA]  }
0x39: {  	_ = 	snop;
	(pc) =	sbr.ind lr, $3  }
0x3a: {  	_ = 	snop  }
0x3b: {  	_ = 	snop  }
0x3c: {  	p2 =	seq.s32 s10, $0x1;
	s10 =	sld [smem:$0x3FB9]  }
0x3d: {  	_ =	shalt  }
0x3e: {  	_ =	shalt  }
0x3f: {  	_ =	shalt  }
0x40: {  	_ =	shalt  }
0x41: {  	_ =	shalt  }
0x42: {  	_ =	shalt  }
0x43: {  	_ =	shalt  }
0x44: {  	_ =	shalt  }
0x45: {  	_ =	shalt  }
0x46: {  	_ =	shalt  }
0x47: {  	_ =	shalt  }
0x48: {  	_ =	shalt  }
0x49: {  	_ =	shalt  }
0x4a: {  	_ =	shalt  }
0x4b: {  	_ =	shalt  }
0x4c: {  	_ =	shalt  }
0x4d: {  	_ =	shalt  }
0x4e: {  	_ =	shalt  }
0x4f: {  	_ =	shalt  }
0x50: {  	_ =	shalt  }
0x51: {  	_ =	shalt  }
0x52: {  	_ =	shalt  }
0x53: {  	_ =	shalt  }
0x54: {  	_ =	shalt  }
0x55: {  	_ =	shalt  }
0x56: {  	_ =	shalt  }
0x57: {  	_ =	shalt  }
0x58: {  	_ =	shalt  }
0x59: {  	_ =	shalt  }
0x5a: {  	_ =	shalt  }
0x5b: {  	_ =	shalt  }
0x5c: {  	_ =	shalt  }
0x5d: {  	_ =	shalt  }
0x5e: {  	_ =	shalt  }
0x5f: {  	_ =	shalt  }
0x60: {  	_ =	shalt  }
0x61: {  	_ =	shalt  }
0x62: {  	_ =	shalt  }
0x63: {  	_ =	shalt  }
0x64: {  	_ =	shalt  }
0x65: {  	_ =	shalt  }
0x66: {  	_ =	shalt  }
0x67: {  	_ =	shalt  }
0x68: {  	_ =	shalt  }
0x69: {  	_ =	shalt  }
0x6a: {  	_ =	shalt  }
0x6b: {  	_ =	shalt  }
0x6c: {  	_ =	shalt  }
0x6d: {  	_ =	shalt  }
0x6e: {  	_ =	shalt  }
0x6f: {  	_ =	shalt  }
0x70: {  	_ =	shalt  }
0x71: {  	_ =	shalt  }
0x72: {  	_ =	shalt  }
0x73: {  	_ =	shalt  }
0x74: {  	_ =	shalt  }
0x75: {  	_ =	shalt  }
0x76: {  	_ =	shalt  }
0x77: {  	_ =	shalt  }
0x78: {  	_ =	shalt  }
0x79: {  	_ =	shalt  }
0x7a: {  	_ =	shalt  }
0x7b: {  	_ =	shalt  }
0x7c: {  	_ =	shalt  }
0x7d: {  	_ =	shalt  }
0x7e: {  	_ =	shalt  }
0x7f: {  	_ =	shalt  }
0x80: {  	_ =	shalt  }
0x81: {  	_ =	shalt  }
0x82: {  	_ =	shalt  }
0x83: {  	_ =	shalt  }
0x84: {  	_ =	shalt  }
0x85: {  	_ =	shalt  }
0x86: {  	_ =	shalt  }
0x87: {  	_ =	shalt  }
.Lfunc_end0:
.L_simem_size_0:
called_computation_lowered:
.L_overlay_start_0:
0x88: {  	s2 =	sld [smem:$0x3FD9]  }
0x89: {  	s3 =	sld [smem:$0x3FFE];
	_ =	sdelay $0x1  }
0x8a: {  	s1 =	srdreg.scid  }
0x8b: {  	s0 =	sand.u32 $0x1, s1  }
0x8c: {  	s18 =	sshll.u32 s0, $0xA;
	s2 =	sadd.s32 s3, s2  }
0x8d: {  	s2 =	sadd.s32 s2, s18  }
0x8e: {  	[smem:$0x3FC5] =	sst s2  }
0x8f: {  	_ = 	snop  }
0x90: {  	s2 =	sld [smem:$0x3FC9]  }
0x91: {  	s19 =	sld [smem:$0x3FC8]  }
0x92: {  	s4 =	sld [smem:$0x3FC7]  }
0x93: {  	s5 =	sld [smem:$0x3FD0];
	(tm) =	ssettm $0x1  }
0x94: {  	s6 =	sld [smem:$0x3FFB];
	_ =	sdelay $0x3  }
0x95: {  	_ =	strace s6  }
0x96: {  	s6 =	sld [smem:$0x3FFC];
	_ =	sdelay $0x3  }
0x97: {  	_ =	strace s6  }
0x98: {  	s6 =	sld [smem:$0x3FFD];
	_ =	sdelay $0x3  }
0x99: {  	_ =	strace s6  }
0x9a: {  	_ =	strace $0x8FFFFFFF  }
0x9b: {  	s20 =	sld [smem:$0x3FDB];
	_ =	sdelay $0x1  }
0x9c: {  	s7 =	simm.s32 $_scs_section_size  }
0x9d: {  	s8 =	simm.s32 $_size__tile_overlayer_lowered;
	s9 =	simm.s32 $_tile_overlayer_lowered  }
0x9e: {  	s23 =	simm.s32 $0x1BFF;
	s22 =	sshll.u32 s9, $0x1;
	s6 =	sadd.s32 s7, s20  }
0x9f: {  	s10 =	simm.s32 $0x0;
	s21 =	sshll.u32 s8, $0x1;
	s8 =	sadd.s32 s22, s6  }
0xa0: {  	[timem:s10], [sflag:s23] =	dma.local [hbm:s8], s21  }
0xa1: {  	_ =	swait.ge [sflag:s23], s21  }
0xa2: {  	s7 =	ssub.s32 $0x0, s21;
	[sflag:s23] =	ssyncset.done $0x0  }
0xa3: {  	[sflag:s23] =	ssyncadd.s32 s7;
	_ =	sdelay $0x1  }
0xa4: {  	s24 =	simm.s32 $0x1B8B  }
0xa5: {  	_ =	swait.ge [sflag:s24], $0x1  }
0xa6: {  	[sflag:s24] =	ssyncset.done $0x0  }
0xa7: {  	s25 =	simm.s32 $0x1B8E;
	[sflag:s24] =	ssyncadd.s32 $0xFFFFFFFF  }
0xa8: {  	s26 =	simm.s32 $execute0_lowered;
	[smem:$0x3FD2] =	sst s25  }
0xa9: {  	s7 =	sshll.u32 s26, $0x1;
	_ =	strace $0x80000046;
	[dreg:$0x1] =	wrdreg $0xFFFFFFFF  }
0xaa: {  	s28 =	simm.s32 $_size_execute0_lowered;
	s6 =	sadd.s32 s6, s7;
	[dreg:$0x0] =	wrdreg $0x0  }
0xab: {  	s7 =	sshll.u32 s28, $0x1;
	[dreg:$0x2] =	wrdreg s6  }
0xac: {  	[dreg:$0x3] =	wrdreg s7  }
0xad: {  	[dreg:$0x4] =	wrdreg $0xC0  }
0xae: {  	_ =	task [dreg:s10], $0x5FFFF  }
0xaf: {  	[dreg:$0x1] =	wrdreg $0xFFFFFFFF  }
0xb0: {  	[dreg:$0x0] =	wrdreg $0x60  }
0xb1: {  	[dreg:$0x2] =	wrdreg s2  }
0xb2: {  	[dreg:$0x3] =	wrdreg s19  }
0xb3: {  	[dreg:$0x4] =	wrdreg s4  }
0xb4: {  	[dreg:$0x5] =	wrdreg s5  }
0xb5: {  	[dreg:$0x6] =	wrdreg $0x9  }
0xb6: {  	_ =	task.clear_ibuf [dreg:s10], $0x7FFFF;
	_ =	strace $0x90000046  }
0xb7: {  	s29 =	simm.s32 $0x9;
	_ =	strace $0x80000048  }
0xb8: {  	_ =	swait.ge [sflag:s29], $0x1  }
0xb9: {  	[sflag:s29] =	ssyncadd.s32 $0xFFFFFFFF  }
0xba: {  	_ =	strace $0x90000048  }
0xbb: {  	_ =	sfence  }
0xbc: {  	s30 =	sld [smem:$0x0];
	_ =	sdelay $0x2  }
0xbd: {  	s31 =	sshll.u32 s1, $0xD;
	s1 =	sshrl.u32 s1, $0x2  }
0xbe: {  	s3 =	sand.u32 $0x4000, s31;
	s1 =	sadd.s32 s1, s30  }
0xbf: {  	s0 =	sor.u32 s3, s0;
	s1 =	sshll.u32 s1, $0x11  }
0xc0: {  	s0 =	sor.u32 s1, s0  }
0xc1: {  	s0 =	sadd.s32 $0x8F2B, s0  }
0xc2: {  	[sflag:s0] =	ssyncadd.remote.s32 $0x1  }
0xc3: {  	_ =	sfence.sel $0xFFFF  }
0xc4: {  	[dreg:$0x0] =	wrdreg $0xFFFFFFFF;
	(pc) =	sbr.abs _section_cstart, $3  }
0xc5: {  	[dreg:$0x1] =	wrdreg $0xFFFFFFFF  }
0xc6: {  	_ =	task.clear_ibuf [dreg:s10], $0x2FFFF;
	_ =	strace $0x9FFFFFFF  }
0xc7: {  	(tm) =	ssettm $0x7FFFFFFF  }
tec
execute0_lowered:
.L_overlay_start_1:
0x0: {  	(tag) =	ssettag $0x1  }
0x1: {  	s1 =	rddreg [dreg:$0x0]  }
0x2: {  	s0 =	rddreg [dreg:$0x1]  }
0x3: {  	s4 =	rddreg [dreg:$0x2]  }
0x4: {  	s10 =	rddreg [dreg:$0x3]  }
0x5: {  	s3 =	simm.s32 $0x0;
	s5 =	srdreg.scid;
	s2 =	stileid.u32  }
0x6: {  	s13 =	simm.s32 $0x800;
	s14 =	simm.s32 $0x3;
	s16 =	simm.s32 $0x11000  }
0x7: {  	s17 =	simm.s32 $0x15000;
	s18 =	simm.s32 $0x1;
	s19 =	simm.s32 $0x2  }
0x8: {  	s21 =	simm.s32 $0x19000;
	s22 =	simm.s32 $0x0;
	[smem:$0x7FF] =	sst s3  }
0x9: {  	s5 =	sand.u32 $0x1, s5;
	s6 =	sshrl.u32 s2, $0x3;
	s7 =	sshll.u32 s2, $0x7  }
0xa: {  	s8 =	ssub.s32 $0x2, s5;
	s9 =	sshll.u32 s6, $0xA;
	s7 =	sand.u32 $0x380, s7  }
0xb: {  	_ =	strace $0x80000047;
	s12 =	sshll.u32 s5, $0x17;
	s6 =	sshll.u32 s6, $0x10  }
0xc: {  	s26 =	sshll.u32 s5, $0xF;
	s29 =	sshll.u32 s5, $0x9;
	s11 =	sshrl.u32 s8, $0x1  }
0xd: {  	s9 =	sor.u32 s7, s9;
	s6 =	sor.u32 s26, s6;
	s11 =	ssub.s32 s8, s11  }
.Ltmp0:
0xe: {  	s25 =	sshrl.u32 s9, $0x3;
	s9 =	sor.u32 s12, s9;
	(pc) =	sbr.rel .LBB2_1-.Ltmp0, $4  }
0xf: {  	s30 =	sor.u32 s7, s6;
	s6 =	sadd.s32 s0, s29;
	s12 =	simm.s32 $0x80  }
0x10: {  	s4 =	sadd.s32 s4, s25;
	s28 =	sshrl.u32 s9, $0x3;
	s31 =	sshrl.u32 s30, $0x3  }
0x11: {  	v0 =	vlaneseq.u32;
	s8 =	sor.u32 $0x80000, s9;
	s9 =	sor.u32 $0xC0000, s9;
	s5 =	sadd.s32 s1, s28  }
0x12: {  	v1 =	vmul.u32 $0x80, v0;
	s11 =	smax.u32 s11, $0x1;
	s10 =	sadd.s32 s10, s31;
	s7 =	sadd.s32 $0x8000, s5  }
.LBB2_12:
0x13: {  	s22 =	sadd.s32 $0x1, s22  }
0x14: {  	p0 =	sne.s32 s22, s11  }
.Ltmp1:
0x15: {  	s0 =	simm.s32 $0x400;
	(pc) =	sbr.rel @!p0 .LBB2_13-.Ltmp1, $4  }
0x16: {  	[hbm4b:s10+s12] =	stream.strided.scatter [tilespmem:s21], [sflag:$0x3], $0x1000, s0, s12, $0x38;
	[tilespmem:$0x1A000] =	vst v63  }
0x17: {  	_ =	swait.ge [sflag:s14], $0x1000  }
0x18: {  	[sflag:s14] =	ssyncset.done $0x0  }
0x19: {  	[sflag:s14] =	ssyncadd.s32 $0xFFFFF000  }
.LBB2_1:
0x1a: {  	[tilespmem:s3], [sflag:$0x3] =	stream.strided.gather [hbm4b:s4+s12], $0x10000, s13, s12, $0x38;
	[tilespmem:$0x1A000] =	vst v63  }
0x1b: {  	_ =	swait.ge [sflag:s14], $0x10000  }
0x1c: {  	[sflag:s14] =	ssyncset.done $0x0  }
0x1d: {  	s0 =	simm.s32 $0x10000;
	[sflag:s14] =	ssyncadd.s32 $0xFFFF0000  }
0x1e: {  	[tilespmem:s0], [sflag:$0x3] =	stream.linear.gather [hbm4b:s6+s3], $0x1000, $0x38;
	[tilespmem:$0x1A000] =	vst v63  }
0x1f: {  	_ =	swait.ge [sflag:s14], $0x1000  }
0x20: {  	[sflag:s14] =	ssyncset.done $0x0  }
0x21: {  	[sflag:s14] =	ssyncadd.s32 $0xFFFFF000  }
0x22: {  	[tilespmem:s16], [sflag:$0x1] =	stream.strided.gather [hbm4b:s5+s12], $0x4000, s13, s12, $0x38;
	[tilespmem:$0x1A000] =	vst v63  }
0x23: {  	s23 =	simm.s32 $0x0  }
0x24: {  	[tilespmem:s17], [sflag:$0x2] =	stream.strided.gather [hbm4b:s7+s12], $0x4000, s13, s12, $0x38;
	[tilespmem:$0x1A000] =	vst v63  }
.LBB2_2:
0x25: {  	_ =	swait.ge [sflag:s18], $0x4000  }
0x26: {  	[sflag:s18] =	ssyncset.done $0x0  }
0x27: {  	s25 =	sshll.u32 s23, $0x8;
	s24 =	simm.s32 $0x0;
	[sflag:s18] =	ssyncadd.s32 $0xFFFFC000  }
.LBB2_3:
0x28: {  	s0 =	sshll.u32 s24, $0x4  }
0x29: {  	s28 =	simm.s32 $0x1;
	s30 =	simm.s32 $0x2;
	v3 =	vmov s0  }
0x2a: {  	s31 =	simm.s32 $0x5;
	s26 =	sor.u32 s25, s0;
	v4 =	vadd.s32 s28, v0;
	v7 =	vadd.s32 s30, v0;
	v3 =	vshll.u32 v3, $0x7  }
0x2b: {  	s2 =	simm.s32 $0x4;
	v9 =	vadd.s32 s31, v0;
	v2 =	vld [tilespmem:s26+$0x10000];
	v7 =	vand.u32 $0x7F, v7;
	v3 =	vor.u32 v1, v3  }
0x2c: {  	v12 =	vadd.s32 s2, v0;
	s30 =	simm.s32 $0x8;
	v9 =	vand.u32 $0x7F, v9;
	v10 =	vor.u32 v3, v7  }
0x2d: {  	s2 =	simm.s32 $0x6;
	v12 =	vand.u32 $0x7F, v12;
	v18 =	vadd.s32 s30, v0;
	v11 =	vor.u32 v3, v9  }
0x2e: {  	s20 =	simm.s32 $0x3;
	v24 =	vadd.s32 s2, v0;
	v18 =	vand.u32 $0x7F, v18;
	v14 =	vor.u32 v3, v12  }
0x2f: {  	v5 =	vadd.s32 s20, v0;
	v24 =	vand.u32 $0x7F, v24;
	v21 =	vor.u32 v3, v18  }
0x30: {  	v4 =	vand.u32 $0x7F, v4;
	v28 =	vor.u32 v3, v24;
	v2 =	vshll.u32 v2, $0x7  }
0x31: {  	v5 =	vand.u32 $0x7F, v5;
	v6 =	vor.u32 v2, v4;
	v10 =	vld.idx.msk [tilespmem:v10+s16+$0x0], $0xffff  }
0x32: {  	v8 =	vor.u32 v2, v5;
	v11 =	vld.idx.msk [tilespmem:v11+s16+$0x0], $0xffff  }
0x33: {  	v4 =	vor.u32 v3, v4;
	v14 =	vld.idx.msk [tilespmem:v14+s16+$0x0], $0xffff  }
0x34: {  	v5 =	vor.u32 v3, v5;
	v21 =	vld.idx.msk [tilespmem:v21+s16+$0x0], $0xffff  }
0x35: {  	v7 =	vor.u32 v2, v7;
	v28 =	vld.idx.msk [tilespmem:v28+s16+$0x0], $0xffff  }
0x36: {  	v9 =	vor.u32 v2, v9;
	v6 =	vld.idx.msk [tilespmem:v6+s3+$0x0], $0xffff  }
0x37: {  	s15 =	simm.s32 $0x7;
	v12 =	vor.u32 v2, v12;
	v8 =	vld.idx.msk [tilespmem:v8+s3+$0x0], $0xffff  }
0x38: {  	v18 =	vor.u32 v2, v18;
	v13 =	vld.idx.msk [tilespmem:v4+s16+$0x0], $0xffff;
	v4 =	vadd.s32 s15, v0  }
0x39: {  	s20 =	simm.s32 $0x9;
	v24 =	vor.u32 v2, v24;
	v16 =	vld.idx.msk [tilespmem:v5+s16+$0x0], $0xffff;
	v15 =	vand.u32 $0x7F, v4  }
0x3a: {  	v7 =	vld.idx.msk [tilespmem:v7+s3+$0x0], $0xffff;
	v4 =	vadd.s32 s20, v0;
	v5 =	vor.u32 v3, v15  }
0x3b: {  	v9 =	vld.idx.msk [tilespmem:v9+s3+$0x0], $0xffff;
	v17 =	vand.u32 $0x7F, v4;
	v15 =	vor.u32 v2, v15  }
0x3c: {  	s28 =	simm.s32 $0x0;
	v12 =	vld.idx.msk [tilespmem:v12+s3+$0x0], $0xffff;
	s15 =	simm.s32 $0xC;
	v4 =	vor.u32 v0, v2;
	v19 =	vor.u32 v2, v17  }
0x3d: {  	v18 =	vld.idx.msk [tilespmem:v18+s3+$0x0], $0xffff;
	v27 =	vadd.s32 s15, v0;
	s20 =	simm.s32 $0xB;
	v20 =	vor.u32 s28, v4  }
0x3e: {  	v24 =	vld.idx.msk [tilespmem:v24+s3+$0x0], $0xffff;
	v27 =	vand.u32 $0x7F, v27;
	v29 =	vadd.s32 s20, v0;
	v17 =	vor.u32 v3, v17  }
0x3f: {  	s31 =	simm.s32 $0xD;
	v30 =	vor.u32 v2, v27;
	v29 =	vand.u32 $0x7F, v29;
	v22 =	vld.idx.msk [tilespmem:v5+s16+$0x0], $0xffff  }
0x40: {  	s30 =	simm.s32 $0xA;
	v6 =	vmul.f32 v6, v13;
	v13 =	vor.u32 v3, v29;
	v5 =	vadd.s32 s31, v0;
	v15 =	vld.idx.msk [tilespmem:v15+s3+$0x0], $0xffff  }
0x41: {  	v32 =	vadd.s32 s30, v0;
	v29 =	vor.u32 v2, v29;
	v19 =	vld.idx.msk [tilespmem:v19+s3+$0x0], $0xffff;
	v23 =	vand.u32 $0x7F, v5  }
0x42: {  	v32 =	vand.u32 $0x7F, v32;
	v20 =	vld.idx.msk [tilespmem:v20+s3+$0x0], $0xffff;
	v25 =	vor.u32 v3, v23;
	v23 =	vor.u32 v2, v23  }
0x43: {  	v8 =	vmul.f32 v8, v16;
	v16 =	vor.u32 v2, v32;
	v5 =	vor.u32 v0, v3;
	v17 =	vld.idx.msk [tilespmem:v17+s16+$0x0], $0xffff  }
0x44: {  	v31 =	vimm.f32 $0.0e+00;
	v27 =	vor.u32 v3, v27;
	s31 =	simm.s32 $0xE;
	v30 =	vld.idx.msk [tilespmem:v30+s3+$0x0], $0xffff;
	v26 =	vor.u32 s28, v5  }
0x45: {  	v9 =	vmul.f32 v9, v11;
	v7 =	vmul.f32 v7, v10;
	v33 =	vadd.s32 s31, v0;
	v10 =	vld.idx.msk [tilespmem:v13+s16+$0x0], $0xffff  }
0x46: {  	s29 =	simm.s32 $0x13;
	v11 =	vor.u32 v3, v32;
	v6 =	vadd.f32 v6, v31;
	v33 =	vand.u32 $0x7F, v33;
	v29 =	vld.idx.msk [tilespmem:v29+s3+$0x0], $0xffff  }
0x47: {  	v54 =	vadd.s32 s29, v0;
	v14 =	vmul.f32 v12, v14;
	s28 =	simm.s32 $0x11;
	v12 =	vld.idx.msk [tilespmem:v23+s3+$0x0], $0xffff;
	v23 =	vor.u32 v3, v33  }
0x48: {  	v6 =	vadd.f32 v8, v6;
	v13 =	vmul.f32 v18, v21;
	v21 =	vadd.s32 s28, v0;
	v16 =	vld.idx.msk [tilespmem:v16+s3+$0x0], $0xffff  }
0x49: {  	v34 =	vor.u32 v2, v33;
	v17 =	vmul.f32 v19, v17;
	v19 =	vand.u32 $0x7F, v21;
	v26 =	vld.idx.msk [tilespmem:v26+s16+$0x0], $0xffff  }
0x4a: {  	s15 =	simm.s32 $0x12;
	v15 =	vmul.f32 v15, v22;
	v21 =	vld.idx.msk [tilespmem:v27+s16+$0x0], $0xffff;
	v27 =	vand.u32 $0x7F, v54;
	v22 =	vor.u32 v2, v19  }
0x4b: {  	v55 =	vadd.s32 s15, v0;
	v58 =	vld.idx.msk [tilespmem:v11+s16+$0x0], $0xffff;
	v6 =	vadd.f32 v9, v6;
	v56 =	vor.u32 v2, v27  }
0x4c: {  	s20 =	simm.s32 $0x15;
	v19 =	vor.u32 v3, v19;
	v35 =	vld.idx.msk [tilespmem:v23+s16+$0x0], $0xffff;
	v23 =	vand.u32 $0x7F, v55  }
0x4d: {  	v57 =	vadd.s32 s20, v0;
	v25 =	vld.idx.msk [tilespmem:v25+s16+$0x0], $0xffff;
	v6 =	vadd.f32 v15, v6;
	v8 =	vor.u32 v3, v23  }
0x4e: {  	s2 =	simm.s32 $0xF;
	v20 =	vmul.f32 v20, v26;
	v26 =	vld.idx.msk [tilespmem:v34+s3+$0x0], $0xffff;
	v11 =	vor.u32 v2, v23;
	v23 =	vor.u32 v3, v27  }
0x4f: {  	s30 =	simm.s32 $0x14;
	v18 =	vadd.s32 s2, v0;
	v10 =	vmul.f32 v29, v10;
	v9 =	vld.idx.msk [tilespmem:v22+s3+$0x0], $0xffff;
	v27 =	vand.u32 $0x7F, v57  }
0x50: {  	v17 =	vadd.f32 v17, v6;
	v22 =	vadd.s32 s30, v0;
	v33 =	vld.idx.msk [tilespmem:v56+s3+$0x0], $0xffff;
	v32 =	vor.u32 v3, v27  }
0x51: {  	s31 =	simm.s32 $0x17;
	v37 =	vmul.f32 v30, v21;
	v15 =	vld.idx.msk [tilespmem:v19+s16+$0x0], $0xffff;
	v22 =	vand.u32 $0x7F, v22;
	v27 =	vor.u32 v2, v27  }
0x52: {  	s2 =	simm.s32 $0x19;
	v25 =	vmul.f32 v12, v25;
	v19 =	vadd.s32 s31, v0;
	v36 =	vor.u32 v3, v22;
	v38 =	vld.idx.msk [tilespmem:v8+s16+$0x0], $0xffff  }
0x53: {  	s28 =	simm.s32 $0x16;
	v19 =	vand.u32 $0x7F, v19;
	v22 =	vor.u32 v2, v22;
	v8 =	vadd.s32 s2, v0;
	v30 =	vld.idx.msk [tilespmem:v23+s16+$0x0], $0xffff  }
0x54: {  	s15 =	simm.s32 $0x18;
	v12 =	vadd.s32 s28, v0;
	v21 =	vor.u32 v3, v19;
	v39 =	vld.idx.msk [tilespmem:v11+s3+$0x0], $0xffff;
	v6 =	vand.u32 $0x7F, v8  }
0x55: {  	s28 =	simm.s32 $0x10;
	v20 =	vadd.f32 v20, v31;
	v31 =	vld.idx.msk [tilespmem:v32+s16+$0x0], $0xffff;
	v8 =	vadd.s32 s15, v0;
	v11 =	vor.u32 v2, v6  }
0x56: {  	v27 =	vld.idx.msk [tilespmem:v27+s3+$0x0], $0xffff;
	v23 =	vor.u32 v3, v6;
	v6 =	vand.u32 $0x7F, v18;
	v18 =	vor.u32 s28, v4  }
0x57: {  	v20 =	vadd.f32 v7, v20;
	v36 =	vld.idx.msk [tilespmem:v36+s16+$0x0], $0xffff;
	v7 =	vand.u32 $0x7F, v8;
	v40 =	vor.u32 v2, v6  }
0x58: {  	v16 =	vmul.f32 v16, v58;
	v10 =	vadd.f32 v10, v17;
	v22 =	vld.idx.msk [tilespmem:v22+s3+$0x0], $0xffff;
	v41 =	vor.u32 v3, v7  }
0x59: {  	s30 =	simm.s32 $0x1D;
	v59 =	vor.u32 s28, v5;
	v42 =	vor.u32 v2, v7;
	v7 =	vld.idx.msk [tilespmem:v21+s16+$0x0], $0xffff;
	v21 =	vor.u32 v3, v6  }
0x5a: {  	v29 =	vadd.s32 s30, v0;
	v14 =	vadd.f32 v14, v20;
	v20 =	vmul.f32 v24, v28;
	v11 =	vld.idx.msk [tilespmem:v11+s3+$0x0], $0xffff  }
0x5b: {  	s20 =	simm.s32 $0x1B;
	v35 =	vmul.f32 v26, v35;
	v8 =	vmul.f32 v9, v15;
	v15 =	vand.u32 $0x7F, v12;
	v12 =	vld.idx.msk [tilespmem:v18+s3+$0x0], $0xffff  }
0x5c: {  	v9 =	vadd.s32 s20, v0;
	v14 =	vadd.f32 v20, v14;
	v44 =	vor.u32 v3, v15;
	v60 =	vld.idx.msk [tilespmem:v40+s3+$0x0], $0xffff  }
0x5d: {  	s31 =	simm.s32 $0x1C;
	v6 =	vor.u32 v2, v15;
	v18 =	vor.u32 v2, v19;
	v19 =	vand.u32 $0x7F, v29;
	v15 =	vld.idx.msk [tilespmem:v41+s16+$0x0], $0xffff  }
0x5e: {  	s28 =	simm.s32 $0x1A;
	v29 =	vor.u32 v3, v19;
	v61 =	vor.u32 v2, v19;
	v19 =	vadd.s32 s31, v0;
	v62 =	vld.idx.msk [tilespmem:v21+s16+$0x0], $0xffff  }
0x5f: {  	v43 =	vadd.s32 s28, v0;
	v9 =	vand.u32 $0x7F, v9;
	s28 =	simm.s32 $0x1E;
	v20 =	vld.idx.msk [tilespmem:v42+s3+$0x0], $0xffff;
	v19 =	vand.u32 $0x7F, v19  }
0x60: {  	v17 =	vadd.s32 s28, v0;
	v13 =	vadd.f32 v13, v14;
	v21 =	vld.idx.msk [tilespmem:v23+s16+$0x0], $0xffff;
	v63 =	vor.u32 v2, v19  }
0x61: {  	v23 =	vor.u32 v3, v19;
	v19 =	vmul.f32 v33, v30;
	v33 =	vadd.f32 v25, v10;
	v10 =	vld.idx.msk [tilespmem:v44+s16+$0x0], $0xffff  }
0x62: {  	v28 =	vor.u32 v3, v9;
	v45 =	vand.u32 $0x7F, v17;
	v13 =	vadd.f32 v16, v13;
	v24 =	vld.idx.msk [tilespmem:v18+s3+$0x0], $0xffff  }
0x63: {  	v17 =	vmul.f32 v39, v38;
	v16 =	vand.u32 $0x7F, v43;
	v30 =	vor.u32 v2, v9;
	v14 =	vld.idx.msk [tilespmem:v29+s16+$0x0], $0xffff  }
0x64: {  	v26 =	vor.u32 v3, v16;
	v13 =	vadd.f32 v37, v13;
	v9 =	vmul.f32 v22, v36;
	v29 =	vld.idx.msk [tilespmem:v59+s16+$0x0], $0xffff  }
0x65: {  	v32 =	vor.u32 v2, v16;
	v22 =	vmul.f32 v27, v31;
	v34 =	vmul.f32 v60, v62;
	v25 =	vld.idx.msk [tilespmem:v61+s3+$0x0], $0xffff  }
0x66: {  	s29 =	simm.s32 $0x1F;
	s28 =	simm.s32 $0x2F;
	v31 =	vor.u32 v3, v45;
	v27 =	vadd.f32 v35, v13;
	v18 =	vor.u32 v2, v45;
	v16 =	vld.idx.msk [tilespmem:v63+s3+$0x0], $0xffff  }
.LBB2_4:
0x67: {  	s30 =	sadd.s32 $0xFFFFFFF1, s28;
	s0 =	sadd.s32 $0xFFFFFFF2, s28;
	s31 =	sadd.s32 $0xFFFFFFF4, s28;
	v13 =	vmul.f32 v20, v15;
	v15 =	vld.idx.msk [tilespmem:v28+s16+$0x0], $0xffff;
	v20 =	vadd.s32 s29, v0;
	v28 =	vadd.f32 v34, v33  }
0x68: {  	s2 =	sadd.s32 $0xFFFFFFF7, s28;
	v11 =	vmul.f32 v11, v21;
	v33 =	vadd.s32 s0, v0;
	v34 =	vadd.s32 s31, v0;
	s0 =	sadd.s32 $0xFFFFFFF5, s28;
	s31 =	sadd.s32 $0xFFFFFFFC, s28;
	v21 =	vld.idx.msk [tilespmem:v30+s3+$0x0], $0xffff  }
0x69: {  	p0 =	sne.s32 s28, $0x7F;
	v7 =	vmul.f32 v24, v7;
	s29 =	smov.u32 s28;
	s28 =	sadd.s32 $0x10, s28;
	v30 =	vand.u32 $0x7F, v33;
	v33 =	vand.u32 $0x7F, v34;
	v23 =	vld.idx.msk [tilespmem:v23+s16+$0x0], $0xffff  }
0x6a: {  	s15 =	sadd.s32 $0xFFFFFFF3, s29;
	v8 =	vadd.f32 v8, v28;
	v24 =	vor.u32 v3, v30;
	v30 =	vor.u32 v2, v30;
	v28 =	vld.idx.msk [tilespmem:v32+s3+$0x0], $0xffff  }
0x6b: {  	v12 =	vmul.f32 v12, v29;
	v32 =	vadd.s32 s15, v0;
	v34 =	vor.u32 v2, v33;
	s15 =	sadd.s32 $0xFFFFFFF6, s29;
	v29 =	vld.idx.msk [tilespmem:v31+s16+$0x0], $0xffff  }
0x6c: {  	v31 =	vand.u32 $0x7F, v32;
	v32 =	vadd.s32 s15, v0;
	v8 =	vadd.f32 v19, v8;
	v35 =	vld.idx.msk [tilespmem:v18+s3+$0x0], $0xffff  }
0x6d: {  	v14 =	vmul.f32 v25, v14;
	v18 =	vor.u32 v3, v31;
	v19 =	vor.u32 v2, v31;
	v26 =	vld.idx.msk [tilespmem:v26+s16+$0x0], $0xffff  }
0x6e: {  	v25 =	vor.u32 v3, v33;
	v31 =	vand.u32 $0x7F, v32;
	v8 =	vadd.f32 v22, v8;
	v22 =	vld.idx.msk [tilespmem:v6+s3+$0x0], $0xffff  }
0x6f: {  	v33 =	vadd.s32 s2, v0;
	v32 =	vor.u32 v3, v31;
	v6 =	vld.idx.msk [tilespmem:v30+s3+$0x0], $0xffff;
	v30 =	vadd.s32 s0, v0  }
0x70: {  	v31 =	vor.u32 v2, v31;
	s0 =	sadd.s32 $0xFFFFFFF8, s29;
	v7 =	vadd.f32 v7, v8;
	v34 =	vld.idx.msk [tilespmem:v34+s3+$0x0], $0xffff;
	v30 =	vand.u32 $0x7F, v30  }
0x71: {  	v16 =	vmul.f32 v16, v23;
	v36 =	vadd.s32 s0, v0;
	s0 =	sadd.s32 $0xFFFFFFFA, s29;
	v8 =	vld.idx.msk [tilespmem:v24+s16+$0x0], $0xffff;
	v24 =	vor.u32 v3, v30  }
0x72: {  	v12 =	vadd.f32 v12, v27;
	v23 =	vadd.s32 s0, v0;
	v37 =	vld.idx.msk [tilespmem:v18+s16+$0x0], $0xffff;
	v18 =	vand.u32 $0x7F, v36  }
0x73: {  	v27 =	vor.u32 v2, v30;
	s0 =	sadd.s32 $0xFFFFFFF9, s29;
	v36 =	vadd.f32 v11, v7;
	v25 =	vld.idx.msk [tilespmem:v25+s16+$0x0], $0xffff;
	v30 =	vor.u32 v3, v18  }
0x74: {  	v17 =	vadd.f32 v17, v12;
	v7 =	vadd.s32 s0, v0;
	v11 =	vand.u32 $0x7F, v23;
	v32 =	vld.idx.msk [tilespmem:v32+s16+$0x0], $0xffff  }
0x75: {  	v12 =	vand.u32 $0x7F, v20;
	s0 =	sadd.s32 $0xFFFFFFFB, s29;
	v38 =	vld.idx.msk [tilespmem:v19+s3+$0x0], $0xffff;
	v19 =	vor.u32 v3, v11;
	v11 =	vor.u32 v2, v11  }
0x76: {  	v39 =	vor.u32 s30, v5;
	v20 =	vor.u32 s30, v4;
	v7 =	vand.u32 $0x7F, v7;
	v31 =	vld.idx.msk [tilespmem:v31+s3+$0x0], $0xffff  }
0x77: {  	v41 =	vor.u32 v2, v12;
	v23 =	vor.u32 v3, v7;
	v40 =	vld.idx.msk [tilespmem:v24+s16+$0x0], $0xffff;
	v24 =	vor.u32 v2, v7  }
0x78: {  	v21 =	vmul.f32 v21, v15;
	v8 =	vmul.f32 v6, v8;
	v7 =	vld.idx.msk [tilespmem:v30+s16+$0x0], $0xffff;
	v30 =	vadd.s32 s31, v0  }
0x79: {  	v15 =	vand.u32 $0x7F, v33;
	v33 =	vor.u32 v3, v12;
	v42 =	vadd.s32 s0, v0;
	s0 =	sadd.s32 $0xFFFFFFFE, s29;
	v27 =	vld.idx.msk [tilespmem:v27+s3+$0x0], $0xffff  }
0x7a: {  	v26 =	vmul.f32 v28, v26;
	v43 =	vadd.s32 s0, v0;
	v6 =	vor.u32 v2, v15;
	v11 =	vld.idx.msk [tilespmem:v11+s3+$0x0], $0xffff  }
0x7b: {  	v9 =	vadd.f32 v9, v17;
	v18 =	vor.u32 v2, v18;
	v12 =	vld.idx.msk [tilespmem:v20+s3+$0x0], $0xffff;
	v20 =	vand.u32 $0x7F, v43  }
0x7c: {  	v10 =	vmul.f32 v22, v10;
	v17 =	vor.u32 v3, v20;
	v43 =	vor.u32 v2, v20;
	v41 =	vld.idx.msk [tilespmem:v41+s3+$0x0], $0xffff  }
0x7d: {  	s2 =	sadd.s32 $0xFFFFFFFF, s29;
	v44 =	vor.u32 v3, v15;
	s0 =	sadd.s32 $0xFFFFFFFD, s29;
	v36 =	vadd.f32 v21, v36;
	v22 =	vand.u32 $0x7F, v30;
	v15 =	vld.idx.msk [tilespmem:v23+s16+$0x0], $0xffff  }
0x7e: {  	v21 =	vadd.s32 s0, v0;
	v9 =	vadd.f32 v10, v9;
	v23 =	vadd.s32 s2, v0;
	v45 =	vld.idx.msk [tilespmem:v33+s16+$0x0], $0xffff  }
0x7f: {  	v10 =	vand.u32 $0x7F, v21;
	v28 =	vor.u32 v3, v22;
	v46 =	vand.u32 $0x7F, v23;
	v20 =	vld.idx.msk [tilespmem:v24+s3+$0x0], $0xffff  }
0x80: {  	v47 =	vor.u32 v2, v10;
	v9 =	vadd.f32 v13, v9;
	v23 =	vor.u32 v3, v10;
	v21 =	vld.idx.msk [tilespmem:v19+s16+$0x0], $0xffff  }
0x81: {  	v30 =	vor.u32 v2, v22;
	v33 =	vadd.f32 v14, v36;
	v19 =	vmul.f32 v34, v25;
	v24 =	vld.idx.msk [tilespmem:v18+s3+$0x0], $0xffff  }
.Ltmp2:
0x82: {  	v35 =	vmul.f32 v35, v29;
	v13 =	vadd.f32 v26, v9;
	v18 =	vor.u32 v2, v46;
	v14 =	vld.idx.msk [tilespmem:v17+s16+$0x0], $0xffff;
	(pc) =	sbr.rel @p0 .LBB2_4-.Ltmp2, $4  }
0x83: {  	v22 =	vmul.f32 v31, v32;
	v9 =	vmul.f32 v27, v40;
	v17 =	vand.u32 $0x7F, v42;
	v29 =	vld.idx.msk [tilespmem:v39+s16+$0x0], $0xffff  }
0x84: {  	v13 =	vadd.f32 v16, v13;
	v26 =	vor.u32 v3, v17;
	v34 =	vmul.f32 v41, v45;
	v10 =	vld.idx.msk [tilespmem:v44+s16+$0x0], $0xffff  }
0x85: {  	v32 =	vor.u32 v2, v17;
	v16 =	vld.idx.msk [tilespmem:v47+s3+$0x0], $0xffff  }
0x86: {  	v27 =	vadd.f32 v35, v13;
	v31 =	vor.u32 v3, v46;
	v17 =	vmul.f32 v38, v37;
	v25 =	vld.idx.msk [tilespmem:v43+s3+$0x0], $0xffff  }
0x87: {  	_ =	sdelay $0x3  }
0x88: {  	v4 =	vadd.f32 v34, v33;
	v5 =	vld.idx.msk [tilespmem:v28+s16+$0x0], $0xffff;
	v12 =	vmul.f32 v12, v29  }
0x89: {  	v13 =	vadd.s32 s29, v0;
	v6 =	vld.idx.msk [tilespmem:v6+s3+$0x0], $0xffff  }
0x8a: {  	v53 =	vld.idx.msk [tilespmem:v30+s3+$0x0], $0xffff;
	v13 =	vand.u32 $0x7F, v13;
	v4 =	vadd.f32 v8, v4;
	v12 =	vadd.f32 v12, v27  }
0x8b: {  	v23 =	vld.idx.msk [tilespmem:v23+s16+$0x0], $0xffff;
	v2 =	vor.u32 v2, v13  }
0x8c: {  	v54 =	vld.idx.msk [tilespmem:v32+s3+$0x0], $0xffff;
	v3 =	vor.u32 v3, v13;
	v4 =	vadd.f32 v19, v4;
	v12 =	vadd.f32 v17, v12  }
0x8d: {  	v7 =	vmul.f32 v24, v7;
	v55 =	vld.idx.msk [tilespmem:v26+s16+$0x0], $0xffff  }
0x8e: {  	v56 =	vld.idx.msk [tilespmem:v31+s16+$0x0], $0xffff;
	v6 =	vmul.f32 v6, v10;
	v4 =	vadd.f32 v22, v4;
	v9 =	vadd.f32 v9, v12  }
0x8f: {  	v57 =	vmul.f32 v11, v21;
	v58 =	vld.idx.msk [tilespmem:v18+s3+$0x0], $0xffff  }
0x90: {  	v59 =	vmul.f32 v20, v15;
	v2 =	vld.idx.msk [tilespmem:v2+s3+$0x0], $0xffff;
	v4 =	vadd.f32 v7, v4;
	v6 =	vadd.f32 v6, v9  }
0x91: {  	v5 =	vmul.f32 v53, v5;
	v3 =	vld.idx.msk [tilespmem:v3+s16+$0x0], $0xffff  }
0x92: {  	v60 =	vmul.f32 v54, v55;
	v4 =	vadd.f32 v57, v4;
	v6 =	vadd.f32 v59, v6  }
0x93: {  	v61 =	vmul.f32 v25, v14  }
0x94: {  	v62 =	vmul.f32 v16, v23;
	v4 =	vadd.f32 v5, v4;
	v6 =	vadd.f32 v60, v6  }
0x95: {  	v63 =	vmul.f32 v58, v56  }
0x96: {  	s24 =	sadd.s32 $0x1, s24;
	v2 =	vmul.f32 v2, v3;
	v4 =	vadd.f32 v61, v4;
	v5 =	vadd.f32 v62, v6  }
0x97: {  	p0 =	sne.s32 s24, $0x8  }
.Ltmp3:
0x98: {  	v2 =	vadd.f32 v2, v4;
	v3 =	vadd.f32 v63, v5;
	(pc) =	sbr.rel @p0 .LBB2_3-.Ltmp3, $3  }
0x99: {  	_ = 	snop  }
0x9a: {  	v2 =	vadd.f32 v2, v3;
	_ =	sdelay $0x1  }
0x9b: {  	[tilespmem:s26+$0x19000] =	vst v2  }
0x9c: {  	s24 =	sshll.u32 s23, $0x13;
	p0 =	seq.s32 s23, $0xF  }
0x9d: {  	s0 =	sadd.s32 @!p0 s24, s8  }
0x9e: {  	s2 =	simm.s32 @!p0 $0x80;
	s0 =	sshrl.u32 @!p0 s0, $0x3  }
0x9f: {  	s15 =	simm.s32 @!p0 $0x800;
	s26 =	simm.s32 @!p0 $0x11000;
	s0 =	sadd.s32 @!p0 s1, s0  }
0xa0: {  	[tilespmem:s26], [sflag:$0x1] =	stream.strided.gather @!p0 [hbm4b:s0+s2], $0x4000, s15, s2, $0x38;
	[tilespmem:$0x1A000] =	vst v63  }
0xa1: {  	_ =	swait.ge [sflag:s19], $0x4000  }
0xa2: {  	[sflag:s19] =	ssyncset.done $0x0  }
0xa3: {  	s25 =	sor.u32 $0x80, s25;
	s26 =	simm.s32 $0x0;
	[sflag:s19] =	ssyncadd.s32 $0xFFFFC000  }
.LBB2_7:
0xa4: {  	s0 =	sshll.u32 s26, $0x4  }
0xa5: {  	s31 =	simm.s32 $0x3;
	s15 =	simm.s32 $0x2;
	s28 =	sor.u32 s25, s0;
	v3 =	vmov s0  }
0xa6: {  	s20 =	simm.s32 $0x5;
	v5 =	vadd.s32 s31, v0;
	v7 =	vadd.s32 s15, v0;
	v2 =	vld [tilespmem:s28+$0x10000];
	v3 =	vshll.u32 v3, $0x7  }
0xa7: {  	v9 =	vadd.s32 s20, v0;
	s31 =	simm.s32 $0x4;
	v7 =	vand.u32 $0x7F, v7;
	v3 =	vor.u32 v1, v3  }
0xa8: {  	s20 =	simm.s32 $0x8;
	v9 =	vand.u32 $0x7F, v9;
	v12 =	vadd.s32 s31, v0;
	v10 =	vor.u32 v3, v7  }
0xa9: {  	s2 =	simm.s32 $0x1;
	v18 =	vadd.s32 s20, v0;
	v12 =	vand.u32 $0x7F, v12;
	v11 =	vor.u32 v3, v9  }
0xaa: {  	v4 =	vadd.s32 s2, v0;
	v18 =	vand.u32 $0x7F, v18;
	v14 =	vor.u32 v3, v12  }
0xab: {  	v4 =	vand.u32 $0x7F, v4;
	v21 =	vor.u32 v3, v18;
	v2 =	vshll.u32 v2, $0x7  }
0xac: {  	v5 =	vand.u32 $0x7F, v5;
	v6 =	vor.u32 v2, v4  }
0xad: {  	v8 =	vor.u32 v2, v5;
	v10 =	vld.idx.msk [tilespmem:v10+s17+$0x0], $0xffff  }
0xae: {  	v4 =	vor.u32 v3, v4;
	v11 =	vld.idx.msk [tilespmem:v11+s17+$0x0], $0xffff  }
0xaf: {  	v5 =	vor.u32 v3, v5;
	v14 =	vld.idx.msk [tilespmem:v14+s17+$0x0], $0xffff  }
0xb0: {  	v7 =	vor.u32 v2, v7;
	v21 =	vld.idx.msk [tilespmem:v21+s17+$0x0], $0xffff  }
0xb1: {  	s20 =	simm.s32 $0xC;
	v9 =	vor.u32 v2, v9;
	v6 =	vld.idx.msk [tilespmem:v6+s3+$0x0], $0xffff  }
0xb2: {  	s2 =	simm.s32 $0x7;
	v27 =	vadd.s32 s20, v0;
	v12 =	vor.u32 v2, v12;
	v8 =	vld.idx.msk [tilespmem:v8+s3+$0x0], $0xffff  }
0xb3: {  	v27 =	vand.u32 $0x7F, v27;
	v18 =	vor.u32 v2, v18;
	v13 =	vld.idx.msk [tilespmem:v4+s17+$0x0], $0xffff;
	v4 =	vadd.s32 s2, v0  }
0xb4: {  	s15 =	simm.s32 $0x9;
	v30 =	vor.u32 v2, v27;
	v16 =	vld.idx.msk [tilespmem:v5+s17+$0x0], $0xffff;
	v15 =	vand.u32 $0x7F, v4  }
0xb5: {  	v7 =	vld.idx.msk [tilespmem:v7+s3+$0x0], $0xffff;
	v4 =	vadd.s32 s15, v0;
	v5 =	vor.u32 v3, v15  }
0xb6: {  	v9 =	vld.idx.msk [tilespmem:v9+s3+$0x0], $0xffff;
	v17 =	vand.u32 $0x7F, v4;
	v15 =	vor.u32 v2, v15  }
0xb7: {  	s2 =	simm.s32 $0x0;
	v12 =	vld.idx.msk [tilespmem:v12+s3+$0x0], $0xffff;
	s15 =	simm.s32 $0x6;
	v4 =	vor.u32 v0, v2;
	v19 =	vor.u32 v2, v17  }
0xb8: {  	v18 =	vld.idx.msk [tilespmem:v18+s3+$0x0], $0xffff;
	v24 =	vadd.s32 s15, v0;
	v20 =	vor.u32 s2, v4  }
0xb9: {  	s31 =	simm.s32 $0xD;
	v30 =	vld.idx.msk [tilespmem:v30+s3+$0x0], $0xffff;
	v17 =	vor.u32 v3, v17;
	v24 =	vand.u32 $0x7F, v24  }
0xba: {  	v28 =	vor.u32 v3, v24;
	v22 =	vld.idx.msk [tilespmem:v5+s17+$0x0], $0xffff;
	v5 =	vadd.s32 s31, v0  }
0xbb: {  	v31 =	vimm.f32 $0.0e+00;
	v24 =	vor.u32 v2, v24;
	v15 =	vld.idx.msk [tilespmem:v15+s3+$0x0], $0xffff;
	v23 =	vand.u32 $0x7F, v5  }
0xbc: {  	v27 =	vor.u32 v3, v27;
	s15 =	simm.s32 $0xE;
	s31 =	simm.s32 $0xB;
	v19 =	vld.idx.msk [tilespmem:v19+s3+$0x0], $0xffff;
	v5 =	vor.u32 v0, v3;
	v25 =	vor.u32 v3, v23  }
0xbd: {  	v33 =	vadd.s32 s15, v0;
	v20 =	vld.idx.msk [tilespmem:v20+s3+$0x0], $0xffff;
	v29 =	vadd.s32 s31, v0;
	v26 =	vor.u32 s2, v5  }
0xbe: {  	s15 =	simm.s32 $0x13;
	v33 =	vand.u32 $0x7F, v33;
	v17 =	vld.idx.msk [tilespmem:v17+s17+$0x0], $0xffff;
	v23 =	vor.u32 v2, v23;
	v29 =	vand.u32 $0x7F, v29  }
0xbf: {  	v54 =	vadd.s32 s15, v0;
	v6 =	vmul.f32 v6, v13;
	s2 =	simm.s32 $0xA;
	v28 =	vld.idx.msk [tilespmem:v28+s17+$0x0], $0xffff;
	v13 =	vor.u32 v3, v29  }
0xc0: {  	v8 =	vmul.f32 v8, v16;
	v24 =	vld.idx.msk [tilespmem:v24+s3+$0x0], $0xffff;
	v32 =	vadd.s32 s2, v0;
	v29 =	vor.u32 v2, v29  }
0xc1: {  	v34 =	vor.u32 v2, v33;
	v6 =	vadd.f32 v6, v31;
	v32 =	vand.u32 $0x7F, v32;
	v25 =	vld.idx.msk [tilespmem:v25+s17+$0x0], $0xffff  }
0xc2: {  	v14 =	vmul.f32 v12, v14;
	v9 =	vmul.f32 v9, v11;
	v16 =	vor.u32 v2, v32;
	v26 =	vld.idx.msk [tilespmem:v26+s17+$0x0], $0xffff  }
0xc3: {  	v7 =	vmul.f32 v7, v10;
	s31 =	simm.s32 $0x11;
	v6 =	vadd.f32 v8, v6;
	v12 =	vld.idx.msk [tilespmem:v23+s3+$0x0], $0xffff;
	v23 =	vor.u32 v3, v33  }
0xc4: {  	v11 =	vor.u32 v3, v32;
	v10 =	vld.idx.msk [tilespmem:v13+s17+$0x0], $0xffff;
	v13 =	vmul.f32 v18, v21;
	v21 =	vadd.s32 s31, v0  }
0xc5: {  	s20 =	simm.s32 $0xF;
	v15 =	vmul.f32 v15, v22;
	v17 =	vmul.f32 v19, v17;
	v29 =	vld.idx.msk [tilespmem:v29+s3+$0x0], $0xffff;
	v19 =	vand.u32 $0x7F, v21  }
0xc6: {  	v18 =	vadd.s32 s20, v0;
	s20 =	simm.s32 $0x12;
	v21 =	vld.idx.msk [tilespmem:v27+s17+$0x0], $0xffff;
	v27 =	vand.u32 $0x7F, v54;
	v22 =	vor.u32 v2, v19  }
0xc7: {  	v6 =	vadd.f32 v9, v6;
	v55 =	vadd.s32 s20, v0;
	v16 =	vld.idx.msk [tilespmem:v16+s3+$0x0], $0xffff;
	v56 =	vor.u32 v2, v27  }
0xc8: {  	s31 =	simm.s32 $0x15;
	v19 =	vor.u32 v3, v19;
	v35 =	vld.idx.msk [tilespmem:v23+s17+$0x0], $0xffff;
	v23 =	vand.u32 $0x7F, v55  }
0xc9: {  	v6 =	vadd.f32 v15, v6;
	v57 =	vadd.s32 s31, v0;
	v58 =	vld.idx.msk [tilespmem:v11+s17+$0x0], $0xffff;
	v8 =	vor.u32 v3, v23  }
0xca: {  	v20 =	vmul.f32 v20, v26;
	v26 =	vld.idx.msk [tilespmem:v34+s3+$0x0], $0xffff;
	v11 =	vor.u32 v2, v23;
	v23 =	vor.u32 v3, v27  }
0xcb: {  	s2 =	simm.s32 $0x14;
	v17 =	vadd.f32 v17, v6;
	v27 =	vand.u32 $0x7F, v57;
	v9 =	vld.idx.msk [tilespmem:v22+s3+$0x0], $0xffff  }
0xcc: {  	s20 =	simm.s32 $0x17;
	v25 =	vmul.f32 v12, v25;
	v32 =	vor.u32 v3, v27;
	v22 =	vadd.s32 s2, v0;
	v33 =	vld.idx.msk [tilespmem:v56+s3+$0x0], $0xffff  }
0xcd: {  	s15 =	simm.s32 $0x16;
	v27 =	vor.u32 v2, v27;
	v15 =	vld.idx.msk [tilespmem:v19+s17+$0x0], $0xffff;
	v19 =	vadd.s32 s20, v0;
	v22 =	vand.u32 $0x7F, v22  }
0xce: {  	s31 =	simm.s32 $0x19;
	v12 =	vadd.s32 s15, v0;
	v19 =	vand.u32 $0x7F, v19;
	v36 =	vor.u32 v3, v22;
	v38 =	vld.idx.msk [tilespmem:v8+s17+$0x0], $0xffff  }
0xcf: {  	v37 =	vmul.f32 v30, v21;
	v21 =	vor.u32 v3, v19;
	v8 =	vadd.s32 s31, v0;
	v30 =	vld.idx.msk [tilespmem:v23+s17+$0x0], $0xffff  }
0xd0: {  	v10 =	vmul.f32 v29, v10;
	s2 =	simm.s32 $0x18;
	v22 =	vor.u32 v2, v22;
	v39 =	vld.idx.msk [tilespmem:v11+s3+$0x0], $0xffff;
	v6 =	vand.u32 $0x7F, v8  }
0xd1: {  	s15 =	simm.s32 $0x10;
	v20 =	vadd.f32 v20, v31;
	v31 =	vld.idx.msk [tilespmem:v32+s17+$0x0], $0xffff;
	v8 =	vadd.s32 s2, v0;
	v11 =	vor.u32 v2, v6  }
0xd2: {  	v27 =	vld.idx.msk [tilespmem:v27+s3+$0x0], $0xffff;
	v23 =	vor.u32 v3, v6;
	v6 =	vand.u32 $0x7F, v18;
	v18 =	vor.u32 s15, v4  }
0xd3: {  	v20 =	vadd.f32 v7, v20;
	v7 =	vand.u32 $0x7F, v8;
	v40 =	vor.u32 v2, v6;
	v36 =	vld.idx.msk [tilespmem:v36+s17+$0x0], $0xffff  }
0xd4: {  	v59 =	vor.u32 s15, v5;
	v41 =	vor.u32 v3, v7;
	v42 =	vor.u32 v2, v7;
	v7 =	vld.idx.msk [tilespmem:v21+s17+$0x0], $0xffff  }
0xd5: {  	v16 =	vmul.f32 v16, v58;
	v10 =	vadd.f32 v10, v17;
	s31 =	simm.s32 $0x1A;
	v14 =	vadd.f32 v14, v20;
	v22 =	vld.idx.msk [tilespmem:v22+s3+$0x0], $0xffff  }
0xd6: {  	s20 =	simm.s32 $0x1B;
	v20 =	vmul.f32 v24, v28;
	v43 =	vadd.s32 s31, v0;
	v21 =	vor.u32 v3, v6;
	v11 =	vld.idx.msk [tilespmem:v11+s3+$0x0], $0xffff  }
0xd7: {  	v8 =	vmul.f32 v9, v15;
	v9 =	vadd.s32 s20, v0;
	v15 =	vand.u32 $0x7F, v12;
	s15 =	simm.s32 $0x1D;
	v12 =	vld.idx.msk [tilespmem:v18+s3+$0x0], $0xffff  }
0xd8: {  	v14 =	vadd.f32 v20, v14;
	v29 =	vadd.s32 s15, v0;
	v44 =	vor.u32 v3, v15;
	v60 =	vld.idx.msk [tilespmem:v40+s3+$0x0], $0xffff  }
0xd9: {  	s20 =	simm.s32 $0x1C;
	v6 =	vor.u32 v2, v15;
	v18 =	vor.u32 v2, v19;
	v19 =	vand.u32 $0x7F, v29;
	v15 =	vld.idx.msk [tilespmem:v41+s17+$0x0], $0xffff  }
0xda: {  	s31 =	simm.s32 $0x1E;
	v29 =	vor.u32 v3, v19;
	v61 =	vor.u32 v2, v19;
	v19 =	vadd.s32 s20, v0;
	v20 =	vld.idx.msk [tilespmem:v42+s3+$0x0], $0xffff  }
0xdb: {  	v35 =	vmul.f32 v26, v35;
	v17 =	vadd.s32 s31, v0;
	v62 =	vld.idx.msk [tilespmem:v21+s17+$0x0], $0xffff;
	v19 =	vand.u32 $0x7F, v19  }
0xdc: {  	v9 =	vand.u32 $0x7F, v9;
	v13 =	vadd.f32 v13, v14;
	v21 =	vld.idx.msk [tilespmem:v23+s17+$0x0], $0xffff;
	v63 =	vor.u32 v2, v19  }
0xdd: {  	v23 =	vor.u32 v3, v19;
	v19 =	vmul.f32 v33, v30;
	v33 =	vadd.f32 v25, v10;
	v10 =	vld.idx.msk [tilespmem:v44+s17+$0x0], $0xffff  }
0xde: {  	v45 =	vand.u32 $0x7F, v17;
	v28 =	vor.u32 v3, v9;
	v13 =	vadd.f32 v16, v13;
	v24 =	vld.idx.msk [tilespmem:v18+s3+$0x0], $0xffff  }
0xdf: {  	v17 =	vmul.f32 v39, v38;
	v16 =	vand.u32 $0x7F, v43;
	v30 =	vor.u32 v2, v9;
	v14 =	vld.idx.msk [tilespmem:v29+s17+$0x0], $0xffff  }
0xe0: {  	v26 =	vor.u32 v3, v16;
	v13 =	vadd.f32 v37, v13;
	v9 =	vmul.f32 v22, v36;
	v29 =	vld.idx.msk [tilespmem:v59+s17+$0x0], $0xffff  }
0xe1: {  	v32 =	vor.u32 v2, v16;
	v22 =	vmul.f32 v27, v31;
	v25 =	vld.idx.msk [tilespmem:v61+s3+$0x0], $0xffff;
	v34 =	vmul.f32 v60, v62  }
0xe2: {  	s30 =	simm.s32 $0x1F;
	s29 =	simm.s32 $0x2F;
	v31 =	vor.u32 v3, v45;
	v27 =	vadd.f32 v35, v13;
	v18 =	vor.u32 v2, v45;
	v16 =	vld.idx.msk [tilespmem:v63+s3+$0x0], $0xffff  }
.LBB2_8:
0xe3: {  	s31 =	sadd.s32 $0xFFFFFFF1, s29;
	s0 =	sadd.s32 $0xFFFFFFF2, s29;
	s2 =	sadd.s32 $0xFFFFFFF4, s29;
	v13 =	vmul.f32 v20, v15;
	v15 =	vld.idx.msk [tilespmem:v28+s17+$0x0], $0xffff;
	v20 =	vadd.s32 s30, v0;
	v28 =	vadd.f32 v34, v33  }
0xe4: {  	s15 =	sadd.s32 $0xFFFFFFF7, s29;
	v11 =	vmul.f32 v11, v21;
	v33 =	vadd.s32 s0, v0;
	v34 =	vadd.s32 s2, v0;
	s2 =	sadd.s32 $0xFFFFFFF5, s29;
	s0 =	sadd.s32 $0xFFFFFFFC, s29;
	v21 =	vld.idx.msk [tilespmem:v30+s3+$0x0], $0xffff  }
0xe5: {  	p1 =	sne.s32 s29, $0x7F;
	v7 =	vmul.f32 v24, v7;
	s30 =	smov.u32 s29;
	s29 =	sadd.s32 $0x10, s29;
	v30 =	vand.u32 $0x7F, v33;
	v33 =	vand.u32 $0x7F, v34;
	v23 =	vld.idx.msk [tilespmem:v23+s17+$0x0], $0xffff  }
0xe6: {  	s20 =	sadd.s32 $0xFFFFFFF3, s30;
	v8 =	vadd.f32 v8, v28;
	v24 =	vor.u32 v3, v30;
	v30 =	vor.u32 v2, v30;
	v28 =	vld.idx.msk [tilespmem:v32+s3+$0x0], $0xffff  }
0xe7: {  	v12 =	vmul.f32 v12, v29;
	v32 =	vadd.s32 s20, v0;
	v34 =	vor.u32 v2, v33;
	s20 =	sadd.s32 $0xFFFFFFF6, s30;
	v29 =	vld.idx.msk [tilespmem:v31+s17+$0x0], $0xffff  }
0xe8: {  	v31 =	vand.u32 $0x7F, v32;
	v32 =	vadd.s32 s20, v0;
	v8 =	vadd.f32 v19, v8;
	v35 =	vld.idx.msk [tilespmem:v18+s3+$0x0], $0xffff  }
0xe9: {  	v14 =	vmul.f32 v25, v14;
	v18 =	vor.u32 v3, v31;
	v19 =	vor.u32 v2, v31;
	v26 =	vld.idx.msk [tilespmem:v26+s17+$0x0], $0xffff  }
0xea: {  	v25 =	vor.u32 v3, v33;
	v31 =	vand.u32 $0x7F, v32;
	v8 =	vadd.f32 v22, v8;
	v22 =	vld.idx.msk [tilespmem:v6+s3+$0x0], $0xffff  }
0xeb: {  	v33 =	vadd.s32 s15, v0;
	v32 =	vor.u32 v3, v31;
	v6 =	vld.idx.msk [tilespmem:v30+s3+$0x0], $0xffff;
	v30 =	vadd.s32 s2, v0  }
0xec: {  	v31 =	vor.u32 v2, v31;
	s2 =	sadd.s32 $0xFFFFFFF8, s30;
	v7 =	vadd.f32 v7, v8;
	v34 =	vld.idx.msk [tilespmem:v34+s3+$0x0], $0xffff;
	v30 =	vand.u32 $0x7F, v30  }
0xed: {  	v16 =	vmul.f32 v16, v23;
	v36 =	vadd.s32 s2, v0;
	s2 =	sadd.s32 $0xFFFFFFFA, s30;
	v8 =	vld.idx.msk [tilespmem:v24+s17+$0x0], $0xffff;
	v24 =	vor.u32 v3, v30  }
0xee: {  	v12 =	vadd.f32 v12, v27;
	v23 =	vadd.s32 s2, v0;
	v37 =	vld.idx.msk [tilespmem:v18+s17+$0x0], $0xffff;
	v18 =	vand.u32 $0x7F, v36  }
0xef: {  	v27 =	vor.u32 v2, v30;
	s2 =	sadd.s32 $0xFFFFFFF9, s30;
	v36 =	vadd.f32 v11, v7;
	v25 =	vld.idx.msk [tilespmem:v25+s17+$0x0], $0xffff;
	v30 =	vor.u32 v3, v18  }
0xf0: {  	v17 =	vadd.f32 v17, v12;
	v7 =	vadd.s32 s2, v0;
	v11 =	vand.u32 $0x7F, v23;
	v32 =	vld.idx.msk [tilespmem:v32+s17+$0x0], $0xffff  }
0xf1: {  	v12 =	vand.u32 $0x7F, v20;
	s2 =	sadd.s32 $0xFFFFFFFB, s30;
	v38 =	vld.idx.msk [tilespmem:v19+s3+$0x0], $0xffff;
	v19 =	vor.u32 v3, v11;
	v11 =	vor.u32 v2, v11  }
0xf2: {  	v39 =	vor.u32 s31, v5;
	v20 =	vor.u32 s31, v4;
	v7 =	vand.u32 $0x7F, v7;
	v31 =	vld.idx.msk [tilespmem:v31+s3+$0x0], $0xffff  }
0xf3: {  	v41 =	vor.u32 v2, v12;
	v23 =	vor.u32 v3, v7;
	v40 =	vld.idx.msk [tilespmem:v24+s17+$0x0], $0xffff;
	v24 =	vor.u32 v2, v7  }
0xf4: {  	v21 =	vmul.f32 v21, v15;
	v8 =	vmul.f32 v6, v8;
	v7 =	vld.idx.msk [tilespmem:v30+s17+$0x0], $0xffff;
	v30 =	vadd.s32 s0, v0  }
0xf5: {  	v15 =	vand.u32 $0x7F, v33;
	v33 =	vor.u32 v3, v12;
	v42 =	vadd.s32 s2, v0;
	s0 =	sadd.s32 $0xFFFFFFFE, s30;
	v27 =	vld.idx.msk [tilespmem:v27+s3+$0x0], $0xffff  }
0xf6: {  	v26 =	vmul.f32 v28, v26;
	v6 =	vor.u32 v2, v15;
	v43 =	vadd.s32 s0, v0;
	v11 =	vld.idx.msk [tilespmem:v11+s3+$0x0], $0xffff  }
0xf7: {  	v9 =	vadd.f32 v9, v17;
	v18 =	vor.u32 v2, v18;
	v12 =	vld.idx.msk [tilespmem:v20+s3+$0x0], $0xffff;
	v20 =	vand.u32 $0x7F, v43  }
0xf8: {  	v10 =	vmul.f32 v22, v10;
	v17 =	vor.u32 v3, v20;
	v43 =	vor.u32 v2, v20;
	v41 =	vld.idx.msk [tilespmem:v41+s3+$0x0], $0xffff  }
0xf9: {  	v44 =	vor.u32 v3, v15;
	s2 =	sadd.s32 $0xFFFFFFFF, s30;
	v36 =	vadd.f32 v21, v36;
	v22 =	vand.u32 $0x7F, v30;
	s0 =	sadd.s32 $0xFFFFFFFD, s30;
	v15 =	vld.idx.msk [tilespmem:v23+s17+$0x0], $0xffff  }
0xfa: {  	v9 =	vadd.f32 v10, v9;
	v21 =	vadd.s32 s0, v0;
	v23 =	vadd.s32 s2, v0;
	v45 =	vld.idx.msk [tilespmem:v33+s17+$0x0], $0xffff  }
0xfb: {  	v28 =	vor.u32 v3, v22;
	v10 =	vand.u32 $0x7F, v21;
	v46 =	vand.u32 $0x7F, v23;
	v20 =	vld.idx.msk [tilespmem:v24+s3+$0x0], $0xffff  }
0xfc: {  	v9 =	vadd.f32 v13, v9;
	v47 =	vor.u32 v2, v10;
	v23 =	vor.u32 v3, v10;
	v21 =	vld.idx.msk [tilespmem:v19+s17+$0x0], $0xffff  }
0xfd: {  	v30 =	vor.u32 v2, v22;
	v33 =	vadd.f32 v14, v36;
	v19 =	vmul.f32 v34, v25;
	v24 =	vld.idx.msk [tilespmem:v18+s3+$0x0], $0xffff  }
.Ltmp4:
0xfe: {  	v35 =	vmul.f32 v35, v29;
	v13 =	vadd.f32 v26, v9;
	v18 =	vor.u32 v2, v46;
	v14 =	vld.idx.msk [tilespmem:v17+s17+$0x0], $0xffff;
	(pc) =	sbr.rel @p1 .LBB2_8-.Ltmp4, $4  }
0xff: {  	v22 =	vmul.f32 v31, v32;
	v9 =	vmul.f32 v27, v40;
	v17 =	vand.u32 $0x7F, v42;
	v29 =	vld.idx.msk [tilespmem:v39+s17+$0x0], $0xffff  }
0x100: {  	v13 =	vadd.f32 v16, v13;
	v26 =	vor.u32 v3, v17;
	v34 =	vmul.f32 v41, v45;
	v10 =	vld.idx.msk [tilespmem:v44+s17+$0x0], $0xffff  }
0x101: {  	v32 =	vor.u32 v2, v17;
	v16 =	vld.idx.msk [tilespmem:v47+s3+$0x0], $0xffff  }
0x102: {  	v27 =	vadd.f32 v35, v13;
	v31 =	vor.u32 v3, v46;
	v17 =	vmul.f32 v38, v37;
	v25 =	vld.idx.msk [tilespmem:v43+s3+$0x0], $0xffff  }
0x103: {  	_ =	sdelay $0x3  }
0x104: {  	v4 =	vadd.f32 v34, v33;
	v5 =	vld.idx.msk [tilespmem:v28+s17+$0x0], $0xffff;
	v12 =	vmul.f32 v12, v29  }
0x105: {  	v13 =	vadd.s32 s30, v0;
	v6 =	vld.idx.msk [tilespmem:v6+s3+$0x0], $0xffff  }
0x106: {  	v53 =	vld.idx.msk [tilespmem:v30+s3+$0x0], $0xffff;
	v13 =	vand.u32 $0x7F, v13;
	v4 =	vadd.f32 v8, v4;
	v12 =	vadd.f32 v12, v27  }
0x107: {  	v23 =	vld.idx.msk [tilespmem:v23+s17+$0x0], $0xffff;
	v2 =	vor.u32 v2, v13  }
0x108: {  	v54 =	vld.idx.msk [tilespmem:v32+s3+$0x0], $0xffff;
	v3 =	vor.u32 v3, v13;
	v4 =	vadd.f32 v19, v4;
	v12 =	vadd.f32 v17, v12  }
0x109: {  	v7 =	vmul.f32 v24, v7;
	v55 =	vld.idx.msk [tilespmem:v26+s17+$0x0], $0xffff  }
0x10a: {  	v56 =	vld.idx.msk [tilespmem:v31+s17+$0x0], $0xffff;
	v6 =	vmul.f32 v6, v10;
	v4 =	vadd.f32 v22, v4;
	v9 =	vadd.f32 v9, v12  }
0x10b: {  	v57 =	vmul.f32 v11, v21;
	v58 =	vld.idx.msk [tilespmem:v18+s3+$0x0], $0xffff  }
0x10c: {  	v59 =	vmul.f32 v20, v15;
	v2 =	vld.idx.msk [tilespmem:v2+s3+$0x0], $0xffff;
	v4 =	vadd.f32 v7, v4;
	v6 =	vadd.f32 v6, v9  }
0x10d: {  	v5 =	vmul.f32 v53, v5;
	v3 =	vld.idx.msk [tilespmem:v3+s17+$0x0], $0xffff  }
0x10e: {  	v60 =	vmul.f32 v54, v55;
	v4 =	vadd.f32 v57, v4;
	v6 =	vadd.f32 v59, v6  }
0x10f: {  	v61 =	vmul.f32 v25, v14  }
0x110: {  	v62 =	vmul.f32 v16, v23;
	v4 =	vadd.f32 v5, v4;
	v6 =	vadd.f32 v60, v6  }
0x111: {  	v63 =	vmul.f32 v58, v56  }
0x112: {  	s26 =	sadd.s32 $0x1, s26;
	v2 =	vmul.f32 v2, v3;
	v4 =	vadd.f32 v61, v4;
	v5 =	vadd.f32 v62, v6  }
0x113: {  	p1 =	sne.s32 s26, $0x8  }
.Ltmp5:
0x114: {  	v2 =	vadd.f32 v2, v4;
	v3 =	vadd.f32 v63, v5;
	(pc) =	sbr.rel @p1 .LBB2_7-.Ltmp5, $3  }
0x115: {  	_ = 	snop  }
0x116: {  	v2 =	vadd.f32 v2, v3;
	_ =	sdelay $0x1  }
0x117: {  	[tilespmem:s28+$0x19000] =	vst v2  }
.Ltmp6:
0x118: {  	(pc) =	sbr.rel @p0 .LBB2_12-.Ltmp6, $1  }
0x119: {  	_ =	sdelay $0x3  }
.Ltmp7:
0x11a: {  	(pc) =	sbr.rel .LBB2_2-.Ltmp7, $4  }
0x11b: {  	s0 =	sadd.s32 s24, s9  }
0x11c: {  	s0 =	sshrl.u32 s0, $0x3  }
0x11d: {  	s23 =	sadd.s32 $0x1, s23;
	s0 =	sadd.s32 s1, s0  }
0x11e: {  	[tilespmem:s17], [sflag:$0x2] =	stream.strided.gather [hbm4b:s0+s12], $0x4000, s13, s12, $0x38;
	[tilespmem:$0x1A000] =	vst v63  }
.LBB2_13:
0x11f: {  	_ =	sfence.sel $0x180000  }
0x120: {  	[bflag:$0x0] =	sbarrier.arrive $0xFFFF  }
0x121: {  	_ =	strace $0x90000047  }
0x122: {  	s0 =	stileid.u32;
	[bflag:$0x2] =	sbarrier.arrive $0xFFFF  }
0x123: {  	p0 =	sne.s32 s0, $0x0;
	s0 =	rddreg [dreg:$0x4]  }
0x124: {  	s0 =	sadd.s32 @!p0 $0x100000, s0  }
0x125: {  	[sflag:s0] =	ssyncadd.tile.s32 @!p0 $0x1;
	_ =	shalt  }
.Lfunc_end2:
_tile_overlayer_lowered:
.L_overlay_start_2:
0x126: {  	(tag) =	ssettag $0x2  }
0x127: {  	s0 =	rddreg [dreg:$0x0];
	s2 =	stileid.u32  }
0x128: {  	s1 =	rddreg [dreg:$0x1];
	p0 =	sne.s32 s2, $0x0  }
0x129: {  	s3 =	rddreg [dreg:$0x2];
	[bflag:$0x3] =	sbarrier.arrive $0xFFFF;
	s2 =	simm.s32 @!p0 $0x1C03  }
0x12a: {  	[timem:s3], [sflag:s2] =	dma.local @!p0 [hbm:s0], s1  }
0x12b: {  	s0 =	simm.s32 @!p0 $0x3  }
0x12c: {  	_ =	swait.ge @!p0 [sflag:s0], s1  }
0x12d: {  	s1 =	ssub.s32 @!p0 $0x0, s1;
	[sflag:s0] =	ssyncset.done @!p0 $0x0  }
0x12e: {  	[sflag:s0] =	ssyncadd.s32 @!p0 s1  }
0x12f: {  	[bflag:$0x3] =	sbarrier.arrive $0xFFFF  }
0x130: {  	_ =	shalt  }

</sc_bundles>
